<compile_context>
chip_gen: v7x
topology: tpu7x:2x2x1
jax: 0.10.2.dev20260603
libtpu: 0.0.44.dev20260713+nightly
codegen_flags: <defaults>
</compile_context>

<pallas_src>
import jax
import jax.numpy as jnp
from jax import lax
from jax.experimental import pallas as pl
from jax.experimental.pallas import tpu as pltpu
from jax.experimental.pallas import tpu_sc as plsc

NC = 2
NS = 16
NW = NC * NS

D = 33
NROWS = 1000000
CHUNK = 128
B_TOTAL = 16384 * 10
PER_W = B_TOTAL // NW
NCHUNK = PER_W // CHUNK
NBUF = 5
L1 = 2
NROUND = NCHUNK // NBUF


def _gather_body(idx_hbm, tbl_hbm, out_hbm, idx_v, rows_v, gsem, osem):
    wid = lax.axis_index("s") * NC + lax.axis_index("c")
    pltpu.sync_copy(idx_hbm.at[wid], idx_v)
    base = wid * PER_W

    def gather(j, s):
        pltpu.async_copy(tbl_hbm.at[idx_v.at[j]], rows_v.at[s], gsem.at[s])

    def out_copy(j, s):
        pltpu.async_copy(
            rows_v.at[s], out_hbm.at[pl.ds(base + j * CHUNK, CHUNK)], osem.at[s]
        )

    def wait_gather(s):
        pltpu.make_async_copy(
            tbl_hbm.at[idx_v.at[0]], rows_v.at[s], gsem.at[s]
        ).wait()

    def wait_out(s):
        pltpu.make_async_copy(
            rows_v.at[s], out_hbm.at[pl.ds(base, CHUNK)], osem.at[s]
        ).wait()

    for b in range(L1):
        gather(b, b)

    def round_fn(r, carry):
        for b in range(NBUF):
            j = r * NBUF + b
            s_new = (b + L1) % NBUF
            j_new = j + L1
            if b < NBUF - L1:
                @pl.when(r >= 1)
                def _():
                    wait_out(s_new)
                    gather(j_new, s_new)

                @pl.when(r == 0)
                def _():
                    gather(j_new, s_new)
            else:
                @pl.when(r < NROUND - 1)
                def _():
                    wait_out(s_new)
                    gather(j_new, s_new)

            wait_gather(b)
            out_copy(j, b)
        return carry

    lax.fori_loop(0, NROUND, round_fn, 0)

    for b in range(NBUF):
        wait_out(b)


def kernel(idx, embedding):
    idx3 = idx.reshape(NW, NCHUNK, CHUNK)
    dep = jnp.pad(embedding, ((0, 0), (0, 128 - D)))
    mesh = plsc.VectorSubcoreMesh(
        core_axis_name="c", subcore_axis_name="s", num_cores=NC, num_subcores=NS
    )
    out128 = pl.kernel(
        _gather_body,
        out_type=jax.ShapeDtypeStruct((B_TOTAL, 128), jnp.float32),
        mesh=mesh,
        scratch_types=[
            pltpu.VMEM((NCHUNK, CHUNK), jnp.int32),
            pltpu.VMEM((NBUF, CHUNK, 128), jnp.float32),
            pltpu.SemaphoreType.DMA((NBUF,)),
            pltpu.SemaphoreType.DMA((NBUF,)),
        ],
    )(idx3, dep)
    return out128[:, :D].reshape(idx.shape[0], idx.shape[1], D)

# --- scband reference (transcript-rebuilt; emitter-appended) ---
"""Pipeline reference for scband-hyperboloid-embedding-layer-24086176596780 (READ-ONLY COPY).

The authoritative reference and input builder live on the scoring server;
editing this copy changes nothing except your own understanding.
"""

import jax, jax.numpy as jnp
import numpy as np

NUM_NODES = 1000000
EMBEDDING_DIM = 32


def poincare_ball_to_hyperboloid(X):
    x = 2.0 * X
    sq = jnp.sum(jnp.square(X), axis=-1, keepdims=True)
    t = 1.0 + sq
    x = jnp.concatenate([x, t], axis=-1)
    return (1.0 / (1.0 - sq)) * x


def hyperboloid_initializer(key, shape, r_max=0.01):
    w = jax.random.uniform(key, shape, minval=-r_max, maxval=r_max, dtype=jnp.float32)
    return poincare_ball_to_hyperboloid(w)


def setup_inputs(seed: int = 0) -> dict:
    key = jax.random.key(seed)
    k_idx, k_emb = jax.random.split(key)
    idx = jax.random.randint(k_idx, (16384, 10), 0, NUM_NODES)
    # Learned parameter: hyperboloid embedding table.
    # Note: the initializer appends the time coordinate t, so the actual
    # table has EMBEDDING_DIM + 1 columns, matching compute_output_shape.
    embedding = hyperboloid_initializer(k_emb, (NUM_NODES, EMBEDDING_DIM))
    return {"idx": idx, "embedding": embedding}


def reference(idx, embedding):
    # Faithful translation of call(): tf.gather(self.embedding, idx)
    return jnp.take(embedding, idx, axis=0)

if __name__ == "__main__":
    import jax
    _d = setup_inputs()
    print(jax.jit(kernel)(*tuple(_d.values())))

</pallas_src>

<mosaic_0001>
#map = affine_map<(d0, d1) -> (0, 0, 0)>
#map1 = affine_map<(d0, d1) -> (0, 0)>
module attributes {stable_mosaic.version = 14 : i64} {
  func.func @_gather_body(%arg0: i32, %arg1: i32, %arg2: memref<32x40x128xi32, #tpu.memory_space<hbm>>, %arg3: memref<1000000x128xf32, #tpu.memory_space<hbm>>, %arg4: memref<163840x128xf32, #tpu.memory_space<hbm>>, %arg5: memref<40x128xi32, #tpu.memory_space<vmem>>, %arg6: memref<5x128x128xf32, #tpu.memory_space<vmem>>, %arg7: memref<5x!tpu.dma_semaphore, #tpu.memory_space<semaphore_mem>>, %arg8: memref<5x!tpu.dma_semaphore, #tpu.memory_space<semaphore_mem>>) attributes {dimension_semantics = [#tpu.dimension_semantics<core_parallel>, #tpu.dimension_semantics<subcore_parallel>], iteration_bounds = array<i64: 2, 16>, scalar_prefetch = 0 : i64, scratch_operands = 4 : i64, tpu.core_type = #tpu.core_type<sc_vector_subcore>, window_params = [{transform_indices = #map}, {transform_indices = #map1}, {transform_indices = #map1}]} {
    %mul3A = arith.constant 2 : i32
    %mul3A_0 = arith.muli %arg1, %mul3A : i32
    %add3A = arith.addi %mul3A_0, %arg0 : i32
    "tpu.region"() ({
      %run_scoped3A = tpu.sem_alloc : memref<!tpu.dma_semaphore, #tpu.memory_space<semaphore_mem>>
      %dma_start3A_116 = arith.constant 0 : i32
      %dma_start3A_117 = arith.constant 0 : i32
      %dma_start3A_118 = tpu.memref_slice %arg2[%add3A, %dma_start3A_116, %dma_start3A_117] : memref<32x40x128xi32, #tpu.memory_space<hbm>> -> memref<1x40x128xi32, #tpu.memory_space<hbm>>
      %dma_start3A_119 = tpu.memref_squeeze %dma_start3A_118 : memref<1x40x128xi32, #tpu.memory_space<hbm>> -> memref<40x128xi32, #tpu.memory_space<hbm>>
      %dma_start3A_120 = arith.constant 0 : i32
      %dma_start3A_121 = arith.constant 0 : i32
      %dma_start3A_122 = tpu.memref_slice %arg2[%add3A, %dma_start3A_120, %dma_start3A_121] : memref<32x40x128xi32, #tpu.memory_space<hbm>> -> memref<1x40x128xi32, #tpu.memory_space<hbm>>
      %dma_start3A_123 = tpu.memref_squeeze %dma_start3A_122 : memref<1x40x128xi32, #tpu.memory_space<hbm>> -> memref<40x128xi32, #tpu.memory_space<hbm>>
      tpu.enqueue_dma source(%dma_start3A_123 : memref<40x128xi32, #tpu.memory_space<hbm>>) target(%arg5 : memref<40x128xi32, #tpu.memory_space<vmem>>) target_semaphore(%run_scoped3A : memref<!tpu.dma_semaphore, #tpu.memory_space<semaphore_mem>>)
      %dma_wait3A_124 = arith.constant 0 : i32
      %dma_wait3A_125 = arith.constant 0 : i32
      %dma_wait3A_126 = tpu.memref_slice %arg2[%add3A, %dma_wait3A_124, %dma_wait3A_125] : memref<32x40x128xi32, #tpu.memory_space<hbm>> -> memref<1x40x128xi32, #tpu.memory_space<hbm>>
      %dma_wait3A_127 = tpu.memref_squeeze %dma_wait3A_126 : memref<1x40x128xi32, #tpu.memory_space<hbm>> -> memref<40x128xi32, #tpu.memory_space<hbm>>
      %dma_wait3A_128 = arith.constant 0 : i32
      %dma_wait3A_129 = arith.constant 0 : i32
      %dma_wait3A_130 = tpu.memref_slice %arg2[%add3A, %dma_wait3A_128, %dma_wait3A_129] : memref<32x40x128xi32, #tpu.memory_space<hbm>> -> memref<1x40x128xi32, #tpu.memory_space<hbm>>
      %dma_wait3A_131 = tpu.memref_squeeze %dma_wait3A_130 : memref<1x40x128xi32, #tpu.memory_space<hbm>> -> memref<40x128xi32, #tpu.memory_space<hbm>>
      tpu.wait_dma2 semaphore(%run_scoped3A : memref<!tpu.dma_semaphore, #tpu.memory_space<semaphore_mem>>) src(%dma_wait3A_131 : memref<40x128xi32, #tpu.memory_space<hbm>>) dst(%arg5 : memref<40x128xi32, #tpu.memory_space<vmem>>)
      tpu.yield
    }) : () -> ()
    %mul3A_1 = arith.constant 5120 : i32
    %mul3A_2 = arith.muli %add3A, %mul3A_1 : i32
    %dma_start3A = arith.constant 0 : i32
    %dma_start3A_3 = arith.constant 0 : i32
    %dma_start3A_4 = arith.constant 0 : i32
    %dma_start3A_5 = arith.constant 0 : i32
    %dma_start3A_6 = arith.constant 0 : i32
    %dma_start3A_7 = tpu.memref_slice %arg6[%dma_start3A_3, %dma_start3A_5, %dma_start3A_6] : memref<5x128x128xf32, #tpu.memory_space<vmem>> -> memref<1x128x128xf32, #tpu.memory_space<vmem>>
    %dma_start3A_8 = tpu.memref_squeeze %dma_start3A_7 : memref<1x128x128xf32, #tpu.memory_space<vmem>> -> memref<128x128xf32, #tpu.memory_space<vmem>>
    %dma_start3A_9 = arith.constant 0 : i32
    %dma_start3A_10 = tpu.memref_slice %arg5[%dma_start3A, %dma_start3A_9] : memref<40x128xi32, #tpu.memory_space<vmem>> -> memref<1x128xi32, #tpu.memory_space<vmem>>
    %dma_start3A_11 = tpu.memref_squeeze %dma_start3A_10 : memref<1x128xi32, #tpu.memory_space<vmem>> -> memref<128xi32, #tpu.memory_space<vmem>>
    %dma_start3A_12 = arith.constant 0 : i32
    %dma_start3A_13 = arith.constant 0 : i32
    %dma_start3A_14 = tpu.memref_slice %arg3[%dma_start3A_12, %dma_start3A_13] : memref<1000000x128xf32, #tpu.memory_space<hbm>> -> memref<1000000x128xf32, #tpu.memory_space<hbm>>
    %dma_start3A_15 = tpu.memref_slice %arg7[%dma_start3A_4] : memref<5x!tpu.dma_semaphore, #tpu.memory_space<semaphore_mem>> -> memref<1x!tpu.dma_semaphore, #tpu.memory_space<semaphore_mem>>
    %dma_start3A_16 = tpu.memref_squeeze %dma_start3A_15 : memref<1x!tpu.dma_semaphore, #tpu.memory_space<semaphore_mem>> -> memref<!tpu.dma_semaphore, #tpu.memory_space<semaphore_mem>>
    tpu.enqueue_indirect_dma source(%dma_start3A_14 : memref<1000000x128xf32, #tpu.memory_space<hbm>>) target(%dma_start3A_8 : memref<128x128xf32, #tpu.memory_space<vmem>>) offsets(%dma_start3A_11 : memref<128xi32, #tpu.memory_space<vmem>>) semaphore(%dma_start3A_16 : memref<!tpu.dma_semaphore, #tpu.memory_space<semaphore_mem>>)
    %dma_start3A_17 = arith.constant 1 : i32
    %dma_start3A_18 = arith.constant 1 : i32
    %dma_start3A_19 = arith.constant 1 : i32
    %dma_start3A_20 = arith.constant 0 : i32
    %dma_start3A_21 = arith.constant 0 : i32
    %dma_start3A_22 = tpu.memref_slice %arg6[%dma_start3A_18, %dma_start3A_20, %dma_start3A_21] : memref<5x128x128xf32, #tpu.memory_space<vmem>> -> memref<1x128x128xf32, #tpu.memory_space<vmem>>
    %dma_start3A_23 = tpu.memref_squeeze %dma_start3A_22 : memref<1x128x128xf32, #tpu.memory_space<vmem>> -> memref<128x128xf32, #tpu.memory_space<vmem>>
    %dma_start3A_24 = arith.constant 0 : i32
    %dma_start3A_25 = tpu.memref_slice %arg5[%dma_start3A_17, %dma_start3A_24] : memref<40x128xi32, #tpu.memory_space<vmem>> -> memref<1x128xi32, #tpu.memory_space<vmem>>
    %dma_start3A_26 = tpu.memref_squeeze %dma_start3A_25 : memref<1x128xi32, #tpu.memory_space<vmem>> -> memref<128xi32, #tpu.memory_space<vmem>>
    %dma_start3A_27 = arith.constant 0 : i32
    %dma_start3A_28 = arith.constant 0 : i32
    %dma_start3A_29 = tpu.memref_slice %arg3[%dma_start3A_27, %dma_start3A_28] : memref<1000000x128xf32, #tpu.memory_space<hbm>> -> memref<1000000x128xf32, #tpu.memory_space<hbm>>
    %dma_start3A_30 = tpu.memref_slice %arg7[%dma_start3A_19] : memref<5x!tpu.dma_semaphore, #tpu.memory_space<semaphore_mem>> -> memref<1x!tpu.dma_semaphore, #tpu.memory_space<semaphore_mem>>
    %dma_start3A_31 = tpu.memref_squeeze %dma_start3A_30 : memref<1x!tpu.dma_semaphore, #tpu.memory_space<semaphore_mem>> -> memref<!tpu.dma_semaphore, #tpu.memory_space<semaphore_mem>>
    tpu.enqueue_indirect_dma source(%dma_start3A_29 : memref<1000000x128xf32, #tpu.memory_space<hbm>>) target(%dma_start3A_23 : memref<128x128xf32, #tpu.memory_space<vmem>>) offsets(%dma_start3A_26 : memref<128xi32, #tpu.memory_space<vmem>>) semaphore(%dma_start3A_31 : memref<!tpu.dma_semaphore, #tpu.memory_space<semaphore_mem>>)
    %scan3A = arith.constant 0 : i32
    %scan3A_32 = arith.constant 0 : i32
    %scan3A_33 = arith.constant 8 : i32
    %scan3A_34 = arith.addi %scan3A_32, %scan3A_33 : i32
    %scan3A_35 = arith.constant 1 : i32
    scf.for %scan3A_116 = %scan3A_32 to %scan3A_34 step %scan3A_35  : i32 {
      %mul3A_117 = arith.constant 5 : i32
      %mul3A_118 = arith.muli %scan3A_116, %mul3A_117 : i32
      %add3A_119 = arith.constant 0 : i32
      %add3A_120 = arith.addi %mul3A_118, %add3A_119 : i32
      %add3A_121 = arith.constant 2 : i32
      %add3A_122 = arith.addi %add3A_120, %add3A_121 : i32
      %ge3A = arith.constant 1 : i32
      %ge3A_123 = arith.cmpi sge, %scan3A_116, %ge3A : i32
      %convert_element_type3A = arith.extui %ge3A_123 : i1 to i32
      %cond3A = arith.constant 0 : i32
      %cond3A_124 = arith.cmpi ne, %convert_element_type3A, %cond3A : i32
      scf.if %cond3A_124 {
        %dma_wait3A_352 = arith.constant 2 : i32
        %dma_wait3A_353 = arith.constant 2 : i32
        %dma_wait3A_354 = arith.constant 0 : i32
        %dma_wait3A_355 = arith.constant 0 : i32
        %dma_wait3A_356 = tpu.memref_slice %arg6[%dma_wait3A_352, %dma_wait3A_354, %dma_wait3A_355] : memref<5x128x128xf32, #tpu.memory_space<vmem>> -> memref<1x128x128xf32, #tpu.memory_space<vmem>>
        %dma_wait3A_357 = tpu.memref_squeeze %dma_wait3A_356 : memref<1x128x128xf32, #tpu.memory_space<vmem>> -> memref<128x128xf32, #tpu.memory_space<vmem>>
        %dma_wait3A_358 = arith.constant 0 : i32
        %dma_wait3A_359 = tpu.memref_slice %arg4[%mul3A_2, %dma_wait3A_358] : memref<163840x128xf32, #tpu.memory_space<hbm>> -> memref<128x128xf32, #tpu.memory_space<hbm>>
        %dma_wait3A_360 = tpu.memref_slice %arg8[%dma_wait3A_353] : memref<5x!tpu.dma_semaphore, #tpu.memory_space<semaphore_mem>> -> memref<1x!tpu.dma_semaphore, #tpu.memory_space<semaphore_mem>>
        %dma_wait3A_361 = tpu.memref_squeeze %dma_wait3A_360 : memref<1x!tpu.dma_semaphore, #tpu.memory_space<semaphore_mem>> -> memref<!tpu.dma_semaphore, #tpu.memory_space<semaphore_mem>>
        %dma_wait3A_362 = arith.constant 0 : i32
        %dma_wait3A_363 = tpu.memref_slice %arg4[%mul3A_2, %dma_wait3A_362] : memref<163840x128xf32, #tpu.memory_space<hbm>> -> memref<128x128xf32, #tpu.memory_space<hbm>>
        %dma_wait3A_364 = arith.constant 0 : i32
        %dma_wait3A_365 = arith.constant 0 : i32
        %dma_wait3A_366 = tpu.memref_slice %arg6[%dma_wait3A_352, %dma_wait3A_364, %dma_wait3A_365] : memref<5x128x128xf32, #tpu.memory_space<vmem>> -> memref<1x128x128xf32, #tpu.memory_space<vmem>>
        %dma_wait3A_367 = tpu.memref_squeeze %dma_wait3A_366 : memref<1x128x128xf32, #tpu.memory_space<vmem>> -> memref<128x128xf32, #tpu.memory_space<vmem>>
        tpu.wait_dma2 semaphore(%dma_wait3A_361 : memref<!tpu.dma_semaphore, #tpu.memory_space<semaphore_mem>>) src(%dma_wait3A_367 : memref<128x128xf32, #tpu.memory_space<vmem>>) dst(%dma_wait3A_363 : memref<128x128xf32, #tpu.memory_space<hbm>>)
        %dma_start3A_368 = arith.constant 2 : i32
        %dma_start3A_369 = arith.constant 2 : i32
        %dma_start3A_370 = arith.constant 0 : i32
        %dma_start3A_371 = arith.constant 0 : i32
        %dma_start3A_372 = tpu.memref_slice %arg6[%dma_start3A_368, %dma_start3A_370, %dma_start3A_371] : memref<5x128x128xf32, #tpu.memory_space<vmem>> -> memref<1x128x128xf32, #tpu.memory_space<vmem>>
        %dma_start3A_373 = tpu.memref_squeeze %dma_start3A_372 : memref<1x128x128xf32, #tpu.memory_space<vmem>> -> memref<128x128xf32, #tpu.memory_space<vmem>>
        %dma_start3A_374 = arith.constant 0 : i32
        %dma_start3A_375 = tpu.memref_slice %arg5[%add3A_122, %dma_start3A_374] : memref<40x128xi32, #tpu.memory_space<vmem>> -> memref<1x128xi32, #tpu.memory_space<vmem>>
        %dma_start3A_376 = tpu.memref_squeeze %dma_start3A_375 : memref<1x128xi32, #tpu.memory_space<vmem>> -> memref<128xi32, #tpu.memory_space<vmem>>
        %dma_start3A_377 = arith.constant 0 : i32
        %dma_start3A_378 = arith.constant 0 : i32
        %dma_start3A_379 = tpu.memref_slice %arg3[%dma_start3A_377, %dma_start3A_378] : memref<1000000x128xf32, #tpu.memory_space<hbm>> -> memref<1000000x128xf32, #tpu.memory_space<hbm>>
        %dma_start3A_380 = tpu.memref_slice %arg7[%dma_start3A_369] : memref<5x!tpu.dma_semaphore, #tpu.memory_space<semaphore_mem>> -> memref<1x!tpu.dma_semaphore, #tpu.memory_space<semaphore_mem>>
        %dma_start3A_381 = tpu.memref_squeeze %dma_start3A_380 : memref<1x!tpu.dma_semaphore, #tpu.memory_space<semaphore_mem>> -> memref<!tpu.dma_semaphore, #tpu.memory_space<semaphore_mem>>
        tpu.enqueue_indirect_dma source(%dma_start3A_379 : memref<1000000x128xf32, #tpu.memory_space<hbm>>) target(%dma_start3A_373 : memref<128x128xf32, #tpu.memory_space<vmem>>) offsets(%dma_start3A_376 : memref<128xi32, #tpu.memory_space<vmem>>) semaphore(%dma_start3A_381 : memref<!tpu.dma_semaphore, #tpu.memory_space<semaphore_mem>>)
      } else {
      }
      %eq3A = arith.constant 0 : i32
      %eq3A_125 = arith.cmpi eq, %scan3A_116, %eq3A : i32
      %convert_element_type3A_126 = arith.extui %eq3A_125 : i1 to i32
      %cond3A_127 = arith.constant 0 : i32
      %cond3A_128 = arith.cmpi ne, %convert_element_type3A_126, %cond3A_127 : i32
      scf.if %cond3A_128 {
        %dma_start3A_352 = arith.constant 2 : i32
        %dma_start3A_353 = arith.constant 2 : i32
        %dma_start3A_354 = arith.constant 0 : i32
        %dma_start3A_355 = arith.constant 0 : i32
        %dma_start3A_356 = tpu.memref_slice %arg6[%dma_start3A_352, %dma_start3A_354, %dma_start3A_355] : memref<5x128x128xf32, #tpu.memory_space<vmem>> -> memref<1x128x128xf32, #tpu.memory_space<vmem>>
        %dma_start3A_357 = tpu.memref_squeeze %dma_start3A_356 : memref<1x128x128xf32, #tpu.memory_space<vmem>> -> memref<128x128xf32, #tpu.memory_space<vmem>>
        %dma_start3A_358 = arith.constant 0 : i32
        %dma_start3A_359 = tpu.memref_slice %arg5[%add3A_122, %dma_start3A_358] : memref<40x128xi32, #tpu.memory_space<vmem>> -> memref<1x128xi32, #tpu.memory_space<vmem>>
        %dma_start3A_360 = tpu.memref_squeeze %dma_start3A_359 : memref<1x128xi32, #tpu.memory_space<vmem>> -> memref<128xi32, #tpu.memory_space<vmem>>
        %dma_start3A_361 = arith.constant 0 : i32
        %dma_start3A_362 = arith.constant 0 : i32
        %dma_start3A_363 = tpu.memref_slice %arg3[%dma_start3A_361, %dma_start3A_362] : memref<1000000x128xf32, #tpu.memory_space<hbm>> -> memref<1000000x128xf32, #tpu.memory_space<hbm>>
        %dma_start3A_364 = tpu.memref_slice %arg7[%dma_start3A_353] : memref<5x!tpu.dma_semaphore, #tpu.memory_space<semaphore_mem>> -> memref<1x!tpu.dma_semaphore, #tpu.memory_space<semaphore_mem>>
        %dma_start3A_365 = tpu.memref_squeeze %dma_start3A_364 : memref<1x!tpu.dma_semaphore, #tpu.memory_space<semaphore_mem>> -> memref<!tpu.dma_semaphore, #tpu.memory_space<semaphore_mem>>
        tpu.enqueue_indirect_dma source(%dma_start3A_363 : memref<1000000x128xf32, #tpu.memory_space<hbm>>) target(%dma_start3A_357 : memref<128x128xf32, #tpu.memory_space<vmem>>) offsets(%dma_start3A_360 : memref<128xi32, #tpu.memory_space<vmem>>) semaphore(%dma_start3A_365 : memref<!tpu.dma_semaphore, #tpu.memory_space<semaphore_mem>>)
      } else {
      }
      %dma_wait3A_129 = arith.constant 0 : i32
      %dma_wait3A_130 = arith.constant 0 : i32
      %dma_wait3A_131 = arith.constant 0 : i32
      %dma_wait3A_132 = arith.constant 0 : i32
      %dma_wait3A_133 = arith.constant 0 : i32
      %dma_wait3A_134 = tpu.memref_slice %arg6[%dma_wait3A_130, %dma_wait3A_132, %dma_wait3A_133] : memref<5x128x128xf32, #tpu.memory_space<vmem>> -> memref<1x128x128xf32, #tpu.memory_space<vmem>>
      %dma_wait3A_135 = tpu.memref_squeeze %dma_wait3A_134 : memref<1x128x128xf32, #tpu.memory_space<vmem>> -> memref<128x128xf32, #tpu.memory_space<vmem>>
      %dma_wait3A_136 = arith.constant 0 : i32
      %dma_wait3A_137 = tpu.memref_slice %arg5[%dma_wait3A_129, %dma_wait3A_136] : memref<40x128xi32, #tpu.memory_space<vmem>> -> memref<1x128xi32, #tpu.memory_space<vmem>>
      %dma_wait3A_138 = tpu.memref_squeeze %dma_wait3A_137 : memref<1x128xi32, #tpu.memory_space<vmem>> -> memref<128xi32, #tpu.memory_space<vmem>>
      %dma_wait3A_139 = arith.constant 0 : i32
      %dma_wait3A_140 = arith.constant 0 : i32
      %dma_wait3A_141 = tpu.memref_slice %arg3[%dma_wait3A_139, %dma_wait3A_140] : memref<1000000x128xf32, #tpu.memory_space<hbm>> -> memref<1000000x128xf32, #tpu.memory_space<hbm>>
      %dma_wait3A_142 = tpu.memref_slice %arg7[%dma_wait3A_131] : memref<5x!tpu.dma_semaphore, #tpu.memory_space<semaphore_mem>> -> memref<1x!tpu.dma_semaphore, #tpu.memory_space<semaphore_mem>>
      %dma_wait3A_143 = tpu.memref_squeeze %dma_wait3A_142 : memref<1x!tpu.dma_semaphore, #tpu.memory_space<semaphore_mem>> -> memref<!tpu.dma_semaphore, #tpu.memory_space<semaphore_mem>>
      tpu.wait_indirect_dma semaphore(%dma_wait3A_143 : memref<!tpu.dma_semaphore, #tpu.memory_space<semaphore_mem>>) src(%dma_wait3A_141 : memref<1000000x128xf32, #tpu.memory_space<hbm>>) dst(%dma_wait3A_135 : memref<128x128xf32, #tpu.memory_space<vmem>>)
      %mul3A_144 = arith.constant 128 : i32
      %mul3A_145 = arith.muli %add3A_120, %mul3A_144 : i32
      %add3A_146 = arith.addi %mul3A_2, %mul3A_145 : i32
      %dma_start3A_147 = arith.constant 0 : i32
      %dma_start3A_148 = arith.constant 0 : i32
      %dma_start3A_149 = arith.constant 0 : i32
      %dma_start3A_150 = arith.constant 0 : i32
      %dma_start3A_151 = tpu.memref_slice %arg6[%dma_start3A_147, %dma_start3A_149, %dma_start3A_150] : memref<5x128x128xf32, #tpu.memory_space<vmem>> -> memref<1x128x128xf32, #tpu.memory_space<vmem>>
      %dma_start3A_152 = tpu.memref_squeeze %dma_start3A_151 : memref<1x128x128xf32, #tpu.memory_space<vmem>> -> memref<128x128xf32, #tpu.memory_space<vmem>>
      %dma_start3A_153 = arith.constant 0 : i32
      %dma_start3A_154 = tpu.memref_slice %arg4[%add3A_146, %dma_start3A_153] : memref<163840x128xf32, #tpu.memory_space<hbm>> -> memref<128x128xf32, #tpu.memory_space<hbm>>
      %dma_start3A_155 = tpu.memref_slice %arg8[%dma_start3A_148] : memref<5x!tpu.dma_semaphore, #tpu.memory_space<semaphore_mem>> -> memref<1x!tpu.dma_semaphore, #tpu.memory_space<semaphore_mem>>
      %dma_start3A_156 = tpu.memref_squeeze %dma_start3A_155 : memref<1x!tpu.dma_semaphore, #tpu.memory_space<semaphore_mem>> -> memref<!tpu.dma_semaphore, #tpu.memory_space<semaphore_mem>>
      %dma_start3A_157 = arith.constant 0 : i32
      %dma_start3A_158 = tpu.memref_slice %arg4[%add3A_146, %dma_start3A_157] : memref<163840x128xf32, #tpu.memory_space<hbm>> -> memref<128x128xf32, #tpu.memory_space<hbm>>
      %dma_start3A_159 = arith.constant 0 : i32
      %dma_start3A_160 = arith.constant 0 : i32
      %dma_start3A_161 = tpu.memref_slice %arg6[%dma_start3A_147, %dma_start3A_159, %dma_start3A_160] : memref<5x128x128xf32, #tpu.memory_space<vmem>> -> memref<1x128x128xf32, #tpu.memory_space<vmem>>
      %dma_start3A_162 = tpu.memref_squeeze %dma_start3A_161 : memref<1x128x128xf32, #tpu.memory_space<vmem>> -> memref<128x128xf32, #tpu.memory_space<vmem>>
      tpu.enqueue_dma source(%dma_start3A_162 : memref<128x128xf32, #tpu.memory_space<vmem>>) target(%dma_start3A_158 : memref<128x128xf32, #tpu.memory_space<hbm>>) target_semaphore(%dma_start3A_156 : memref<!tpu.dma_semaphore, #tpu.memory_space<semaphore_mem>>)
      %mul3A_163 = arith.constant 5 : i32
      %mul3A_164 = arith.muli %scan3A_116, %mul3A_163 : i32
      %add3A_165 = arith.constant 1 : i32
      %add3A_166 = arith.addi %mul3A_164, %add3A_165 : i32
      %add3A_167 = arith.constant 2 : i32
      %add3A_168 = arith.addi %add3A_166, %add3A_167 : i32
      %ge3A_169 = arith.constant 1 : i32
      %ge3A_170 = arith.cmpi sge, %scan3A_116, %ge3A_169 : i32
      %convert_element_type3A_171 = arith.extui %ge3A_170 : i1 to i32
      %cond3A_172 = arith.constant 0 : i32
      %cond3A_173 = arith.cmpi ne, %convert_element_type3A_171, %cond3A_172 : i32
      scf.if %cond3A_173 {
        %dma_wait3A_352 = arith.constant 3 : i32
        %dma_wait3A_353 = arith.constant 3 : i32
        %dma_wait3A_354 = arith.constant 0 : i32
        %dma_wait3A_355 = arith.constant 0 : i32
        %dma_wait3A_356 = tpu.memref_slice %arg6[%dma_wait3A_352, %dma_wait3A_354, %dma_wait3A_355] : memref<5x128x128xf32, #tpu.memory_space<vmem>> -> memref<1x128x128xf32, #tpu.memory_space<vmem>>
        %dma_wait3A_357 = tpu.memref_squeeze %dma_wait3A_356 : memref<1x128x128xf32, #tpu.memory_space<vmem>> -> memref<128x128xf32, #tpu.memory_space<vmem>>
        %dma_wait3A_358 = arith.constant 0 : i32
        %dma_wait3A_359 = tpu.memref_slice %arg4[%mul3A_2, %dma_wait3A_358] : memref<163840x128xf32, #tpu.memory_space<hbm>> -> memref<128x128xf32, #tpu.memory_space<hbm>>
        %dma_wait3A_360 = tpu.memref_slice %arg8[%dma_wait3A_353] : memref<5x!tpu.dma_semaphore, #tpu.memory_space<semaphore_mem>> -> memref<1x!tpu.dma_semaphore, #tpu.memory_space<semaphore_mem>>
        %dma_wait3A_361 = tpu.memref_squeeze %dma_wait3A_360 : memref<1x!tpu.dma_semaphore, #tpu.memory_space<semaphore_mem>> -> memref<!tpu.dma_semaphore, #tpu.memory_space<semaphore_mem>>
        %dma_wait3A_362 = arith.constant 0 : i32
        %dma_wait3A_363 = tpu.memref_slice %arg4[%mul3A_2, %dma_wait3A_362] : memref<163840x128xf32, #tpu.memory_space<hbm>> -> memref<128x128xf32, #tpu.memory_space<hbm>>
        %dma_wait3A_364 = arith.constant 0 : i32
        %dma_wait3A_365 = arith.constant 0 : i32
        %dma_wait3A_366 = tpu.memref_slice %arg6[%dma_wait3A_352, %dma_wait3A_364, %dma_wait3A_365] : memref<5x128x128xf32, #tpu.memory_space<vmem>> -> memref<1x128x128xf32, #tpu.memory_space<vmem>>
        %dma_wait3A_367 = tpu.memref_squeeze %dma_wait3A_366 : memref<1x128x128xf32, #tpu.memory_space<vmem>> -> memref<128x128xf32, #tpu.memory_space<vmem>>
        tpu.wait_dma2 semaphore(%dma_wait3A_361 : memref<!tpu.dma_semaphore, #tpu.memory_space<semaphore_mem>>) src(%dma_wait3A_367 : memref<128x128xf32, #tpu.memory_space<vmem>>) dst(%dma_wait3A_363 : memref<128x128xf32, #tpu.memory_space<hbm>>)
        %dma_start3A_368 = arith.constant 3 : i32
        %dma_start3A_369 = arith.constant 3 : i32
        %dma_start3A_370 = arith.constant 0 : i32
        %dma_start3A_371 = arith.constant 0 : i32
        %dma_start3A_372 = tpu.memref_slice %arg6[%dma_start3A_368, %dma_start3A_370, %dma_start3A_371] : memref<5x128x128xf32, #tpu.memory_space<vmem>> -> memref<1x128x128xf32, #tpu.memory_space<vmem>>
        %dma_start3A_373 = tpu.memref_squeeze %dma_start3A_372 : memref<1x128x128xf32, #tpu.memory_space<vmem>> -> memref<128x128xf32, #tpu.memory_space<vmem>>
        %dma_start3A_374 = arith.constant 0 : i32
        %dma_start3A_375 = tpu.memref_slice %arg5[%add3A_168, %dma_start3A_374] : memref<40x128xi32, #tpu.memory_space<vmem>> -> memref<1x128xi32, #tpu.memory_space<vmem>>
        %dma_start3A_376 = tpu.memref_squeeze %dma_start3A_375 : memref<1x128xi32, #tpu.memory_space<vmem>> -> memref<128xi32, #tpu.memory_space<vmem>>
        %dma_start3A_377 = arith.constant 0 : i32
        %dma_start3A_378 = arith.constant 0 : i32
        %dma_start3A_379 = tpu.memref_slice %arg3[%dma_start3A_377, %dma_start3A_378] : memref<1000000x128xf32, #tpu.memory_space<hbm>> -> memref<1000000x128xf32, #tpu.memory_space<hbm>>
        %dma_start3A_380 = tpu.memref_slice %arg7[%dma_start3A_369] : memref<5x!tpu.dma_semaphore, #tpu.memory_space<semaphore_mem>> -> memref<1x!tpu.dma_semaphore, #tpu.memory_space<semaphore_mem>>
        %dma_start3A_381 = tpu.memref_squeeze %dma_start3A_380 : memref<1x!tpu.dma_semaphore, #tpu.memory_space<semaphore_mem>> -> memref<!tpu.dma_semaphore, #tpu.memory_space<semaphore_mem>>
        tpu.enqueue_indirect_dma source(%dma_start3A_379 : memref<1000000x128xf32, #tpu.memory_space<hbm>>) target(%dma_start3A_373 : memref<128x128xf32, #tpu.memory_space<vmem>>) offsets(%dma_start3A_376 : memref<128xi32, #tpu.memory_space<vmem>>) semaphore(%dma_start3A_381 : memref<!tpu.dma_semaphore, #tpu.memory_space<semaphore_mem>>)
      } else {
      }
      %eq3A_174 = arith.constant 0 : i32
      %eq3A_175 = arith.cmpi eq, %scan3A_116, %eq3A_174 : i32
      %convert_element_type3A_176 = arith.extui %eq3A_175 : i1 to i32
      %cond3A_177 = arith.constant 0 : i32
      %cond3A_178 = arith.cmpi ne, %convert_element_type3A_176, %cond3A_177 : i32
      scf.if %cond3A_178 {
        %dma_start3A_352 = arith.constant 3 : i32
        %dma_start3A_353 = arith.constant 3 : i32
        %dma_start3A_354 = arith.constant 0 : i32
        %dma_start3A_355 = arith.constant 0 : i32
        %dma_start3A_356 = tpu.memref_slice %arg6[%dma_start3A_352, %dma_start3A_354, %dma_start3A_355] : memref<5x128x128xf32, #tpu.memory_space<vmem>> -> memref<1x128x128xf32, #tpu.memory_space<vmem>>
        %dma_start3A_357 = tpu.memref_squeeze %dma_start3A_356 : memref<1x128x128xf32, #tpu.memory_space<vmem>> -> memref<128x128xf32, #tpu.memory_space<vmem>>
        %dma_start3A_358 = arith.constant 0 : i32
        %dma_start3A_359 = tpu.memref_slice %arg5[%add3A_168, %dma_start3A_358] : memref<40x128xi32, #tpu.memory_space<vmem>> -> memref<1x128xi32, #tpu.memory_space<vmem>>
        %dma_start3A_360 = tpu.memref_squeeze %dma_start3A_359 : memref<1x128xi32, #tpu.memory_space<vmem>> -> memref<128xi32, #tpu.memory_space<vmem>>
        %dma_start3A_361 = arith.constant 0 : i32
        %dma_start3A_362 = arith.constant 0 : i32
        %dma_start3A_363 = tpu.memref_slice %arg3[%dma_start3A_361, %dma_start3A_362] : memref<1000000x128xf32, #tpu.memory_space<hbm>> -> memref<1000000x128xf32, #tpu.memory_space<hbm>>
        %dma_start3A_364 = tpu.memref_slice %arg7[%dma_start3A_353] : memref<5x!tpu.dma_semaphore, #tpu.memory_space<semaphore_mem>> -> memref<1x!tpu.dma_semaphore, #tpu.memory_space<semaphore_mem>>
        %dma_start3A_365 = tpu.memref_squeeze %dma_start3A_364 : memref<1x!tpu.dma_semaphore, #tpu.memory_space<semaphore_mem>> -> memref<!tpu.dma_semaphore, #tpu.memory_space<semaphore_mem>>
        tpu.enqueue_indirect_dma source(%dma_start3A_363 : memref<1000000x128xf32, #tpu.memory_space<hbm>>) target(%dma_start3A_357 : memref<128x128xf32, #tpu.memory_space<vmem>>) offsets(%dma_start3A_360 : memref<128xi32, #tpu.memory_space<vmem>>) semaphore(%dma_start3A_365 : memref<!tpu.dma_semaphore, #tpu.memory_space<semaphore_mem>>)
      } else {
      }
      %dma_wait3A_179 = arith.constant 0 : i32
      %dma_wait3A_180 = arith.constant 1 : i32
      %dma_wait3A_181 = arith.constant 1 : i32
      %dma_wait3A_182 = arith.constant 0 : i32
      %dma_wait3A_183 = arith.constant 0 : i32
      %dma_wait3A_184 = tpu.memref_slice %arg6[%dma_wait3A_180, %dma_wait3A_182, %dma_wait3A_183] : memref<5x128x128xf32, #tpu.memory_space<vmem>> -> memref<1x128x128xf32, #tpu.memory_space<vmem>>
      %dma_wait3A_185 = tpu.memref_squeeze %dma_wait3A_184 : memref<1x128x128xf32, #tpu.memory_space<vmem>> -> memref<128x128xf32, #tpu.memory_space<vmem>>
      %dma_wait3A_186 = arith.constant 0 : i32
      %dma_wait3A_187 = tpu.memref_slice %arg5[%dma_wait3A_179, %dma_wait3A_186] : memref<40x128xi32, #tpu.memory_space<vmem>> -> memref<1x128xi32, #tpu.memory_space<vmem>>
      %dma_wait3A_188 = tpu.memref_squeeze %dma_wait3A_187 : memref<1x128xi32, #tpu.memory_space<vmem>> -> memref<128xi32, #tpu.memory_space<vmem>>
      %dma_wait3A_189 = arith.constant 0 : i32
      %dma_wait3A_190 = arith.constant 0 : i32
      %dma_wait3A_191 = tpu.memref_slice %arg3[%dma_wait3A_189, %dma_wait3A_190] : memref<1000000x128xf32, #tpu.memory_space<hbm>> -> memref<1000000x128xf32, #tpu.memory_space<hbm>>
      %dma_wait3A_192 = tpu.memref_slice %arg7[%dma_wait3A_181] : memref<5x!tpu.dma_semaphore, #tpu.memory_space<semaphore_mem>> -> memref<1x!tpu.dma_semaphore, #tpu.memory_space<semaphore_mem>>
      %dma_wait3A_193 = tpu.memref_squeeze %dma_wait3A_192 : memref<1x!tpu.dma_semaphore, #tpu.memory_space<semaphore_mem>> -> memref<!tpu.dma_semaphore, #tpu.memory_space<semaphore_mem>>
      tpu.wait_indirect_dma semaphore(%dma_wait3A_193 : memref<!tpu.dma_semaphore, #tpu.memory_space<semaphore_mem>>) src(%dma_wait3A_191 : memref<1000000x128xf32, #tpu.memory_space<hbm>>) dst(%dma_wait3A_185 : memref<128x128xf32, #tpu.memory_space<vmem>>)
      %mul3A_194 = arith.constant 128 : i32
      %mul3A_195 = arith.muli %add3A_166, %mul3A_194 : i32
      %add3A_196 = arith.addi %mul3A_2, %mul3A_195 : i32
      %dma_start3A_197 = arith.constant 1 : i32
      %dma_start3A_198 = arith.constant 1 : i32
      %dma_start3A_199 = arith.constant 0 : i32
      %dma_start3A_200 = arith.constant 0 : i32
      %dma_start3A_201 = tpu.memref_slice %arg6[%dma_start3A_197, %dma_start3A_199, %dma_start3A_200] : memref<5x128x128xf32, #tpu.memory_space<vmem>> -> memref<1x128x128xf32, #tpu.memory_space<vmem>>
      %dma_start3A_202 = tpu.memref_squeeze %dma_start3A_201 : memref<1x128x128xf32, #tpu.memory_space<vmem>> -> memref<128x128xf32, #tpu.memory_space<vmem>>
      %dma_start3A_203 = arith.constant 0 : i32
      %dma_start3A_204 = tpu.memref_slice %arg4[%add3A_196, %dma_start3A_203] : memref<163840x128xf32, #tpu.memory_space<hbm>> -> memref<128x128xf32, #tpu.memory_space<hbm>>
      %dma_start3A_205 = tpu.memref_slice %arg8[%dma_start3A_198] : memref<5x!tpu.dma_semaphore, #tpu.memory_space<semaphore_mem>> -> memref<1x!tpu.dma_semaphore, #tpu.memory_space<semaphore_mem>>
      %dma_start3A_206 = tpu.memref_squeeze %dma_start3A_205 : memref<1x!tpu.dma_semaphore, #tpu.memory_space<semaphore_mem>> -> memref<!tpu.dma_semaphore, #tpu.memory_space<semaphore_mem>>
      %dma_start3A_207 = arith.constant 0 : i32
      %dma_start3A_208 = tpu.memref_slice %arg4[%add3A_196, %dma_start3A_207] : memref<163840x128xf32, #tpu.memory_space<hbm>> -> memref<128x128xf32, #tpu.memory_space<hbm>>
      %dma_start3A_209 = arith.constant 0 : i32
      %dma_start3A_210 = arith.constant 0 : i32
      %dma_start3A_211 = tpu.memref_slice %arg6[%dma_start3A_197, %dma_start3A_209, %dma_start3A_210] : memref<5x128x128xf32, #tpu.memory_space<vmem>> -> memref<1x128x128xf32, #tpu.memory_space<vmem>>
      %dma_start3A_212 = tpu.memref_squeeze %dma_start3A_211 : memref<1x128x128xf32, #tpu.memory_space<vmem>> -> memref<128x128xf32, #tpu.memory_space<vmem>>
      tpu.enqueue_dma source(%dma_start3A_212 : memref<128x128xf32, #tpu.memory_space<vmem>>) target(%dma_start3A_208 : memref<128x128xf32, #tpu.memory_space<hbm>>) target_semaphore(%dma_start3A_206 : memref<!tpu.dma_semaphore, #tpu.memory_space<semaphore_mem>>)
      %mul3A_213 = arith.constant 5 : i32
      %mul3A_214 = arith.muli %scan3A_116, %mul3A_213 : i32
      %add3A_215 = arith.constant 2 : i32
      %add3A_216 = arith.addi %mul3A_214, %add3A_215 : i32
      %add3A_217 = arith.constant 2 : i32
      %add3A_218 = arith.addi %add3A_216, %add3A_217 : i32
      %ge3A_219 = arith.constant 1 : i32
      %ge3A_220 = arith.cmpi sge, %scan3A_116, %ge3A_219 : i32
      %convert_element_type3A_221 = arith.extui %ge3A_220 : i1 to i32
      %cond3A_222 = arith.constant 0 : i32
      %cond3A_223 = arith.cmpi ne, %convert_element_type3A_221, %cond3A_222 : i32
      scf.if %cond3A_223 {
        %dma_wait3A_352 = arith.constant 4 : i32
        %dma_wait3A_353 = arith.constant 4 : i32
        %dma_wait3A_354 = arith.constant 0 : i32
        %dma_wait3A_355 = arith.constant 0 : i32
        %dma_wait3A_356 = tpu.memref_slice %arg6[%dma_wait3A_352, %dma_wait3A_354, %dma_wait3A_355] : memref<5x128x128xf32, #tpu.memory_space<vmem>> -> memref<1x128x128xf32, #tpu.memory_space<vmem>>
        %dma_wait3A_357 = tpu.memref_squeeze %dma_wait3A_356 : memref<1x128x128xf32, #tpu.memory_space<vmem>> -> memref<128x128xf32, #tpu.memory_space<vmem>>
        %dma_wait3A_358 = arith.constant 0 : i32
        %dma_wait3A_359 = tpu.memref_slice %arg4[%mul3A_2, %dma_wait3A_358] : memref<163840x128xf32, #tpu.memory_space<hbm>> -> memref<128x128xf32, #tpu.memory_space<hbm>>
        %dma_wait3A_360 = tpu.memref_slice %arg8[%dma_wait3A_353] : memref<5x!tpu.dma_semaphore, #tpu.memory_space<semaphore_mem>> -> memref<1x!tpu.dma_semaphore, #tpu.memory_space<semaphore_mem>>
        %dma_wait3A_361 = tpu.memref_squeeze %dma_wait3A_360 : memref<1x!tpu.dma_semaphore, #tpu.memory_space<semaphore_mem>> -> memref<!tpu.dma_semaphore, #tpu.memory_space<semaphore_mem>>
        %dma_wait3A_362 = arith.constant 0 : i32
        %dma_wait3A_363 = tpu.memref_slice %arg4[%mul3A_2, %dma_wait3A_362] : memref<163840x128xf32, #tpu.memory_space<hbm>> -> memref<128x128xf32, #tpu.memory_space<hbm>>
        %dma_wait3A_364 = arith.constant 0 : i32
        %dma_wait3A_365 = arith.constant 0 : i32
        %dma_wait3A_366 = tpu.memref_slice %arg6[%dma_wait3A_352, %dma_wait3A_364, %dma_wait3A_365] : memref<5x128x128xf32, #tpu.memory_space<vmem>> -> memref<1x128x128xf32, #tpu.memory_space<vmem>>
        %dma_wait3A_367 = tpu.memref_squeeze %dma_wait3A_366 : memref<1x128x128xf32, #tpu.memory_space<vmem>> -> memref<128x128xf32, #tpu.memory_space<vmem>>
        tpu.wait_dma2 semaphore(%dma_wait3A_361 : memref<!tpu.dma_semaphore, #tpu.memory_space<semaphore_mem>>) src(%dma_wait3A_367 : memref<128x128xf32, #tpu.memory_space<vmem>>) dst(%dma_wait3A_363 : memref<128x128xf32, #tpu.memory_space<hbm>>)
        %dma_start3A_368 = arith.constant 4 : i32
        %dma_start3A_369 = arith.constant 4 : i32
        %dma_start3A_370 = arith.constant 0 : i32
        %dma_start3A_371 = arith.constant 0 : i32
        %dma_start3A_372 = tpu.memref_slice %arg6[%dma_start3A_368, %dma_start3A_370, %dma_start3A_371] : memref<5x128x128xf32, #tpu.memory_space<vmem>> -> memref<1x128x128xf32, #tpu.memory_space<vmem>>
        %dma_start3A_373 = tpu.memref_squeeze %dma_start3A_372 : memref<1x128x128xf32, #tpu.memory_space<vmem>> -> memref<128x128xf32, #tpu.memory_space<vmem>>
        %dma_start3A_374 = arith.constant 0 : i32
        %dma_start3A_375 = tpu.memref_slice %arg5[%add3A_218, %dma_start3A_374] : memref<40x128xi32, #tpu.memory_space<vmem>> -> memref<1x128xi32, #tpu.memory_space<vmem>>
        %dma_start3A_376 = tpu.memref_squeeze %dma_start3A_375 : memref<1x128xi32, #tpu.memory_space<vmem>> -> memref<128xi32, #tpu.memory_space<vmem>>
        %dma_start3A_377 = arith.constant 0 : i32
        %dma_start3A_378 = arith.constant 0 : i32
        %dma_start3A_379 = tpu.memref_slice %arg3[%dma_start3A_377, %dma_start3A_378] : memref<1000000x128xf32, #tpu.memory_space<hbm>> -> memref<1000000x128xf32, #tpu.memory_space<hbm>>
        %dma_start3A_380 = tpu.memref_slice %arg7[%dma_start3A_369] : memref<5x!tpu.dma_semaphore, #tpu.memory_space<semaphore_mem>> -> memref<1x!tpu.dma_semaphore, #tpu.memory_space<semaphore_mem>>
        %dma_start3A_381 = tpu.memref_squeeze %dma_start3A_380 : memref<1x!tpu.dma_semaphore, #tpu.memory_space<semaphore_mem>> -> memref<!tpu.dma_semaphore, #tpu.memory_space<semaphore_mem>>
        tpu.enqueue_indirect_dma source(%dma_start3A_379 : memref<1000000x128xf32, #tpu.memory_space<hbm>>) target(%dma_start3A_373 : memref<128x128xf32, #tpu.memory_space<vmem>>) offsets(%dma_start3A_376 : memref<128xi32, #tpu.memory_space<vmem>>) semaphore(%dma_start3A_381 : memref<!tpu.dma_semaphore, #tpu.memory_space<semaphore_mem>>)
      } else {
      }
      %eq3A_224 = arith.constant 0 : i32
      %eq3A_225 = arith.cmpi eq, %scan3A_116, %eq3A_224 : i32
      %convert_element_type3A_226 = arith.extui %eq3A_225 : i1 to i32
      %cond3A_227 = arith.constant 0 : i32
      %cond3A_228 = arith.cmpi ne, %convert_element_type3A_226, %cond3A_227 : i32
      scf.if %cond3A_228 {
        %dma_start3A_352 = arith.constant 4 : i32
        %dma_start3A_353 = arith.constant 4 : i32
        %dma_start3A_354 = arith.constant 0 : i32
        %dma_start3A_355 = arith.constant 0 : i32
        %dma_start3A_356 = tpu.memref_slice %arg6[%dma_start3A_352, %dma_start3A_354, %dma_start3A_355] : memref<5x128x128xf32, #tpu.memory_space<vmem>> -> memref<1x128x128xf32, #tpu.memory_space<vmem>>
        %dma_start3A_357 = tpu.memref_squeeze %dma_start3A_356 : memref<1x128x128xf32, #tpu.memory_space<vmem>> -> memref<128x128xf32, #tpu.memory_space<vmem>>
        %dma_start3A_358 = arith.constant 0 : i32
        %dma_start3A_359 = tpu.memref_slice %arg5[%add3A_218, %dma_start3A_358] : memref<40x128xi32, #tpu.memory_space<vmem>> -> memref<1x128xi32, #tpu.memory_space<vmem>>
        %dma_start3A_360 = tpu.memref_squeeze %dma_start3A_359 : memref<1x128xi32, #tpu.memory_space<vmem>> -> memref<128xi32, #tpu.memory_space<vmem>>
        %dma_start3A_361 = arith.constant 0 : i32
        %dma_start3A_362 = arith.constant 0 : i32
        %dma_start3A_363 = tpu.memref_slice %arg3[%dma_start3A_361, %dma_start3A_362] : memref<1000000x128xf32, #tpu.memory_space<hbm>> -> memref<1000000x128xf32, #tpu.memory_space<hbm>>
        %dma_start3A_364 = tpu.memref_slice %arg7[%dma_start3A_353] : memref<5x!tpu.dma_semaphore, #tpu.memory_space<semaphore_mem>> -> memref<1x!tpu.dma_semaphore, #tpu.memory_space<semaphore_mem>>
        %dma_start3A_365 = tpu.memref_squeeze %dma_start3A_364 : memref<1x!tpu.dma_semaphore, #tpu.memory_space<semaphore_mem>> -> memref<!tpu.dma_semaphore, #tpu.memory_space<semaphore_mem>>
        tpu.enqueue_indirect_dma source(%dma_start3A_363 : memref<1000000x128xf32, #tpu.memory_space<hbm>>) target(%dma_start3A_357 : memref<128x128xf32, #tpu.memory_space<vmem>>) offsets(%dma_start3A_360 : memref<128xi32, #tpu.memory_space<vmem>>) semaphore(%dma_start3A_365 : memref<!tpu.dma_semaphore, #tpu.memory_space<semaphore_mem>>)
      } else {
      }
      %dma_wait3A_229 = arith.constant 0 : i32
      %dma_wait3A_230 = arith.constant 2 : i32
      %dma_wait3A_231 = arith.constant 2 : i32
      %dma_wait3A_232 = arith.constant 0 : i32
      %dma_wait3A_233 = arith.constant 0 : i32
      %dma_wait3A_234 = tpu.memref_slice %arg6[%dma_wait3A_230, %dma_wait3A_232, %dma_wait3A_233] : memref<5x128x128xf32, #tpu.memory_space<vmem>> -> memref<1x128x128xf32, #tpu.memory_space<vmem>>
      %dma_wait3A_235 = tpu.memref_squeeze %dma_wait3A_234 : memref<1x128x128xf32, #tpu.memory_space<vmem>> -> memref<128x128xf32, #tpu.memory_space<vmem>>
      %dma_wait3A_236 = arith.constant 0 : i32
      %dma_wait3A_237 = tpu.memref_slice %arg5[%dma_wait3A_229, %dma_wait3A_236] : memref<40x128xi32, #tpu.memory_space<vmem>> -> memref<1x128xi32, #tpu.memory_space<vmem>>
      %dma_wait3A_238 = tpu.memref_squeeze %dma_wait3A_237 : memref<1x128xi32, #tpu.memory_space<vmem>> -> memref<128xi32, #tpu.memory_space<vmem>>
      %dma_wait3A_239 = arith.constant 0 : i32
      %dma_wait3A_240 = arith.constant 0 : i32
      %dma_wait3A_241 = tpu.memref_slice %arg3[%dma_wait3A_239, %dma_wait3A_240] : memref<1000000x128xf32, #tpu.memory_space<hbm>> -> memref<1000000x128xf32, #tpu.memory_space<hbm>>
      %dma_wait3A_242 = tpu.memref_slice %arg7[%dma_wait3A_231] : memref<5x!tpu.dma_semaphore, #tpu.memory_space<semaphore_mem>> -> memref<1x!tpu.dma_semaphore, #tpu.memory_space<semaphore_mem>>
      %dma_wait3A_243 = tpu.memref_squeeze %dma_wait3A_242 : memref<1x!tpu.dma_semaphore, #tpu.memory_space<semaphore_mem>> -> memref<!tpu.dma_semaphore, #tpu.memory_space<semaphore_mem>>
      tpu.wait_indirect_dma semaphore(%dma_wait3A_243 : memref<!tpu.dma_semaphore, #tpu.memory_space<semaphore_mem>>) src(%dma_wait3A_241 : memref<1000000x128xf32, #tpu.memory_space<hbm>>) dst(%dma_wait3A_235 : memref<128x128xf32, #tpu.memory_space<vmem>>)
      %mul3A_244 = arith.constant 128 : i32
      %mul3A_245 = arith.muli %add3A_216, %mul3A_244 : i32
      %add3A_246 = arith.addi %mul3A_2, %mul3A_245 : i32
      %dma_start3A_247 = arith.constant 2 : i32
      %dma_start3A_248 = arith.constant 2 : i32
      %dma_start3A_249 = arith.constant 0 : i32
      %dma_start3A_250 = arith.constant 0 : i32
      %dma_start3A_251 = tpu.memref_slice %arg6[%dma_start3A_247, %dma_start3A_249, %dma_start3A_250] : memref<5x128x128xf32, #tpu.memory_space<vmem>> -> memref<1x128x128xf32, #tpu.memory_space<vmem>>
      %dma_start3A_252 = tpu.memref_squeeze %dma_start3A_251 : memref<1x128x128xf32, #tpu.memory_space<vmem>> -> memref<128x128xf32, #tpu.memory_space<vmem>>
      %dma_start3A_253 = arith.constant 0 : i32
      %dma_start3A_254 = tpu.memref_slice %arg4[%add3A_246, %dma_start3A_253] : memref<163840x128xf32, #tpu.memory_space<hbm>> -> memref<128x128xf32, #tpu.memory_space<hbm>>
      %dma_start3A_255 = tpu.memref_slice %arg8[%dma_start3A_248] : memref<5x!tpu.dma_semaphore, #tpu.memory_space<semaphore_mem>> -> memref<1x!tpu.dma_semaphore, #tpu.memory_space<semaphore_mem>>
      %dma_start3A_256 = tpu.memref_squeeze %dma_start3A_255 : memref<1x!tpu.dma_semaphore, #tpu.memory_space<semaphore_mem>> -> memref<!tpu.dma_semaphore, #tpu.memory_space<semaphore_mem>>
      %dma_start3A_257 = arith.constant 0 : i32
      %dma_start3A_258 = tpu.memref_slice %arg4[%add3A_246, %dma_start3A_257] : memref<163840x128xf32, #tpu.memory_space<hbm>> -> memref<128x128xf32, #tpu.memory_space<hbm>>
      %dma_start3A_259 = arith.constant 0 : i32
      %dma_start3A_260 = arith.constant 0 : i32
      %dma_start3A_261 = tpu.memref_slice %arg6[%dma_start3A_247, %dma_start3A_259, %dma_start3A_260] : memref<5x128x128xf32, #tpu.memory_space<vmem>> -> memref<1x128x128xf32, #tpu.memory_space<vmem>>
      %dma_start3A_262 = tpu.memref_squeeze %dma_start3A_261 : memref<1x128x128xf32, #tpu.memory_space<vmem>> -> memref<128x128xf32, #tpu.memory_space<vmem>>
      tpu.enqueue_dma source(%dma_start3A_262 : memref<128x128xf32, #tpu.memory_space<vmem>>) target(%dma_start3A_258 : memref<128x128xf32, #tpu.memory_space<hbm>>) target_semaphore(%dma_start3A_256 : memref<!tpu.dma_semaphore, #tpu.memory_space<semaphore_mem>>)
      %mul3A_263 = arith.constant 5 : i32
      %mul3A_264 = arith.muli %scan3A_116, %mul3A_263 : i32
      %add3A_265 = arith.constant 3 : i32
      %add3A_266 = arith.addi %mul3A_264, %add3A_265 : i32
      %add3A_267 = arith.constant 2 : i32
      %add3A_268 = arith.addi %add3A_266, %add3A_267 : i32
      %lt3A = arith.constant 7 : i32
      %lt3A_269 = arith.cmpi slt, %scan3A_116, %lt3A : i32
      %convert_element_type3A_270 = arith.extui %lt3A_269 : i1 to i32
      %cond3A_271 = arith.constant 0 : i32
      %cond3A_272 = arith.cmpi ne, %convert_element_type3A_270, %cond3A_271 : i32
      scf.if %cond3A_272 {
        %dma_wait3A_352 = arith.constant 0 : i32
        %dma_wait3A_353 = arith.constant 0 : i32
        %dma_wait3A_354 = arith.constant 0 : i32
        %dma_wait3A_355 = arith.constant 0 : i32
        %dma_wait3A_356 = tpu.memref_slice %arg6[%dma_wait3A_352, %dma_wait3A_354, %dma_wait3A_355] : memref<5x128x128xf32, #tpu.memory_space<vmem>> -> memref<1x128x128xf32, #tpu.memory_space<vmem>>
        %dma_wait3A_357 = tpu.memref_squeeze %dma_wait3A_356 : memref<1x128x128xf32, #tpu.memory_space<vmem>> -> memref<128x128xf32, #tpu.memory_space<vmem>>
        %dma_wait3A_358 = arith.constant 0 : i32
        %dma_wait3A_359 = tpu.memref_slice %arg4[%mul3A_2, %dma_wait3A_358] : memref<163840x128xf32, #tpu.memory_space<hbm>> -> memref<128x128xf32, #tpu.memory_space<hbm>>
        %dma_wait3A_360 = tpu.memref_slice %arg8[%dma_wait3A_353] : memref<5x!tpu.dma_semaphore, #tpu.memory_space<semaphore_mem>> -> memref<1x!tpu.dma_semaphore, #tpu.memory_space<semaphore_mem>>
        %dma_wait3A_361 = tpu.memref_squeeze %dma_wait3A_360 : memref<1x!tpu.dma_semaphore, #tpu.memory_space<semaphore_mem>> -> memref<!tpu.dma_semaphore, #tpu.memory_space<semaphore_mem>>
        %dma_wait3A_362 = arith.constant 0 : i32
        %dma_wait3A_363 = tpu.memref_slice %arg4[%mul3A_2, %dma_wait3A_362] : memref<163840x128xf32, #tpu.memory_space<hbm>> -> memref<128x128xf32, #tpu.memory_space<hbm>>
        %dma_wait3A_364 = arith.constant 0 : i32
        %dma_wait3A_365 = arith.constant 0 : i32
        %dma_wait3A_366 = tpu.memref_slice %arg6[%dma_wait3A_352, %dma_wait3A_364, %dma_wait3A_365] : memref<5x128x128xf32, #tpu.memory_space<vmem>> -> memref<1x128x128xf32, #tpu.memory_space<vmem>>
        %dma_wait3A_367 = tpu.memref_squeeze %dma_wait3A_366 : memref<1x128x128xf32, #tpu.memory_space<vmem>> -> memref<128x128xf32, #tpu.memory_space<vmem>>
        tpu.wait_dma2 semaphore(%dma_wait3A_361 : memref<!tpu.dma_semaphore, #tpu.memory_space<semaphore_mem>>) src(%dma_wait3A_367 : memref<128x128xf32, #tpu.memory_space<vmem>>) dst(%dma_wait3A_363 : memref<128x128xf32, #tpu.memory_space<hbm>>)
        %dma_start3A_368 = arith.constant 0 : i32
        %dma_start3A_369 = arith.constant 0 : i32
        %dma_start3A_370 = arith.constant 0 : i32
        %dma_start3A_371 = arith.constant 0 : i32
        %dma_start3A_372 = tpu.memref_slice %arg6[%dma_start3A_368, %dma_start3A_370, %dma_start3A_371] : memref<5x128x128xf32, #tpu.memory_space<vmem>> -> memref<1x128x128xf32, #tpu.memory_space<vmem>>
        %dma_start3A_373 = tpu.memref_squeeze %dma_start3A_372 : memref<1x128x128xf32, #tpu.memory_space<vmem>> -> memref<128x128xf32, #tpu.memory_space<vmem>>
        %dma_start3A_374 = arith.constant 0 : i32
        %dma_start3A_375 = tpu.memref_slice %arg5[%add3A_268, %dma_start3A_374] : memref<40x128xi32, #tpu.memory_space<vmem>> -> memref<1x128xi32, #tpu.memory_space<vmem>>
        %dma_start3A_376 = tpu.memref_squeeze %dma_start3A_375 : memref<1x128xi32, #tpu.memory_space<vmem>> -> memref<128xi32, #tpu.memory_space<vmem>>
        %dma_start3A_377 = arith.constant 0 : i32
        %dma_start3A_378 = arith.constant 0 : i32
        %dma_start3A_379 = tpu.memref_slice %arg3[%dma_start3A_377, %dma_start3A_378] : memref<1000000x128xf32, #tpu.memory_space<hbm>> -> memref<1000000x128xf32, #tpu.memory_space<hbm>>
        %dma_start3A_380 = tpu.memref_slice %arg7[%dma_start3A_369] : memref<5x!tpu.dma_semaphore, #tpu.memory_space<semaphore_mem>> -> memref<1x!tpu.dma_semaphore, #tpu.memory_space<semaphore_mem>>
        %dma_start3A_381 = tpu.memref_squeeze %dma_start3A_380 : memref<1x!tpu.dma_semaphore, #tpu.memory_space<semaphore_mem>> -> memref<!tpu.dma_semaphore, #tpu.memory_space<semaphore_mem>>
        tpu.enqueue_indirect_dma source(%dma_start3A_379 : memref<1000000x128xf32, #tpu.memory_space<hbm>>) target(%dma_start3A_373 : memref<128x128xf32, #tpu.memory_space<vmem>>) offsets(%dma_start3A_376 : memref<128xi32, #tpu.memory_space<vmem>>) semaphore(%dma_start3A_381 : memref<!tpu.dma_semaphore, #tpu.memory_space<semaphore_mem>>)
      } else {
      }
      %dma_wait3A_273 = arith.constant 0 : i32
      %dma_wait3A_274 = arith.constant 3 : i32
      %dma_wait3A_275 = arith.constant 3 : i32
      %dma_wait3A_276 = arith.constant 0 : i32
      %dma_wait3A_277 = arith.constant 0 : i32
      %dma_wait3A_278 = tpu.memref_slice %arg6[%dma_wait3A_274, %dma_wait3A_276, %dma_wait3A_277] : memref<5x128x128xf32, #tpu.memory_space<vmem>> -> memref<1x128x128xf32, #tpu.memory_space<vmem>>
      %dma_wait3A_279 = tpu.memref_squeeze %dma_wait3A_278 : memref<1x128x128xf32, #tpu.memory_space<vmem>> -> memref<128x128xf32, #tpu.memory_space<vmem>>
      %dma_wait3A_280 = arith.constant 0 : i32
      %dma_wait3A_281 = tpu.memref_slice %arg5[%dma_wait3A_273, %dma_wait3A_280] : memref<40x128xi32, #tpu.memory_space<vmem>> -> memref<1x128xi32, #tpu.memory_space<vmem>>
      %dma_wait3A_282 = tpu.memref_squeeze %dma_wait3A_281 : memref<1x128xi32, #tpu.memory_space<vmem>> -> memref<128xi32, #tpu.memory_space<vmem>>
      %dma_wait3A_283 = arith.constant 0 : i32
      %dma_wait3A_284 = arith.constant 0 : i32
      %dma_wait3A_285 = tpu.memref_slice %arg3[%dma_wait3A_283, %dma_wait3A_284] : memref<1000000x128xf32, #tpu.memory_space<hbm>> -> memref<1000000x128xf32, #tpu.memory_space<hbm>>
      %dma_wait3A_286 = tpu.memref_slice %arg7[%dma_wait3A_275] : memref<5x!tpu.dma_semaphore, #tpu.memory_space<semaphore_mem>> -> memref<1x!tpu.dma_semaphore, #tpu.memory_space<semaphore_mem>>
      %dma_wait3A_287 = tpu.memref_squeeze %dma_wait3A_286 : memref<1x!tpu.dma_semaphore, #tpu.memory_space<semaphore_mem>> -> memref<!tpu.dma_semaphore, #tpu.memory_space<semaphore_mem>>
      tpu.wait_indirect_dma semaphore(%dma_wait3A_287 : memref<!tpu.dma_semaphore, #tpu.memory_space<semaphore_mem>>) src(%dma_wait3A_285 : memref<1000000x128xf32, #tpu.memory_space<hbm>>) dst(%dma_wait3A_279 : memref<128x128xf32, #tpu.memory_space<vmem>>)
      %mul3A_288 = arith.constant 128 : i32
      %mul3A_289 = arith.muli %add3A_266, %mul3A_288 : i32
      %add3A_290 = arith.addi %mul3A_2, %mul3A_289 : i32
      %dma_start3A_291 = arith.constant 3 : i32
      %dma_start3A_292 = arith.constant 3 : i32
      %dma_start3A_293 = arith.constant 0 : i32
      %dma_start3A_294 = arith.constant 0 : i32
      %dma_start3A_295 = tpu.memref_slice %arg6[%dma_start3A_291, %dma_start3A_293, %dma_start3A_294] : memref<5x128x128xf32, #tpu.memory_space<vmem>> -> memref<1x128x128xf32, #tpu.memory_space<vmem>>
      %dma_start3A_296 = tpu.memref_squeeze %dma_start3A_295 : memref<1x128x128xf32, #tpu.memory_space<vmem>> -> memref<128x128xf32, #tpu.memory_space<vmem>>
      %dma_start3A_297 = arith.constant 0 : i32
      %dma_start3A_298 = tpu.memref_slice %arg4[%add3A_290, %dma_start3A_297] : memref<163840x128xf32, #tpu.memory_space<hbm>> -> memref<128x128xf32, #tpu.memory_space<hbm>>
      %dma_start3A_299 = tpu.memref_slice %arg8[%dma_start3A_292] : memref<5x!tpu.dma_semaphore, #tpu.memory_space<semaphore_mem>> -> memref<1x!tpu.dma_semaphore, #tpu.memory_space<semaphore_mem>>
      %dma_start3A_300 = tpu.memref_squeeze %dma_start3A_299 : memref<1x!tpu.dma_semaphore, #tpu.memory_space<semaphore_mem>> -> memref<!tpu.dma_semaphore, #tpu.memory_space<semaphore_mem>>
      %dma_start3A_301 = arith.constant 0 : i32
      %dma_start3A_302 = tpu.memref_slice %arg4[%add3A_290, %dma_start3A_301] : memref<163840x128xf32, #tpu.memory_space<hbm>> -> memref<128x128xf32, #tpu.memory_space<hbm>>
      %dma_start3A_303 = arith.constant 0 : i32
      %dma_start3A_304 = arith.constant 0 : i32
      %dma_start3A_305 = tpu.memref_slice %arg6[%dma_start3A_291, %dma_start3A_303, %dma_start3A_304] : memref<5x128x128xf32, #tpu.memory_space<vmem>> -> memref<1x128x128xf32, #tpu.memory_space<vmem>>
      %dma_start3A_306 = tpu.memref_squeeze %dma_start3A_305 : memref<1x128x128xf32, #tpu.memory_space<vmem>> -> memref<128x128xf32, #tpu.memory_space<vmem>>
      tpu.enqueue_dma source(%dma_start3A_306 : memref<128x128xf32, #tpu.memory_space<vmem>>) target(%dma_start3A_302 : memref<128x128xf32, #tpu.memory_space<hbm>>) target_semaphore(%dma_start3A_300 : memref<!tpu.dma_semaphore, #tpu.memory_space<semaphore_mem>>)
      %mul3A_307 = arith.constant 5 : i32
      %mul3A_308 = arith.muli %scan3A_116, %mul3A_307 : i32
      %add3A_309 = arith.constant 4 : i32
      %add3A_310 = arith.addi %mul3A_308, %add3A_309 : i32
      %add3A_311 = arith.constant 2 : i32
      %add3A_312 = arith.addi %add3A_310, %add3A_311 : i32
      %lt3A_313 = arith.constant 7 : i32
      %lt3A_314 = arith.cmpi slt, %scan3A_116, %lt3A_313 : i32
      %convert_element_type3A_315 = arith.extui %lt3A_314 : i1 to i32
      %cond3A_316 = arith.constant 0 : i32
      %cond3A_317 = arith.cmpi ne, %convert_element_type3A_315, %cond3A_316 : i32
      scf.if %cond3A_317 {
        %dma_wait3A_352 = arith.constant 1 : i32
        %dma_wait3A_353 = arith.constant 1 : i32
        %dma_wait3A_354 = arith.constant 0 : i32
        %dma_wait3A_355 = arith.constant 0 : i32
        %dma_wait3A_356 = tpu.memref_slice %arg6[%dma_wait3A_352, %dma_wait3A_354, %dma_wait3A_355] : memref<5x128x128xf32, #tpu.memory_space<vmem>> -> memref<1x128x128xf32, #tpu.memory_space<vmem>>
        %dma_wait3A_357 = tpu.memref_squeeze %dma_wait3A_356 : memref<1x128x128xf32, #tpu.memory_space<vmem>> -> memref<128x128xf32, #tpu.memory_space<vmem>>
        %dma_wait3A_358 = arith.constant 0 : i32
        %dma_wait3A_359 = tpu.memref_slice %arg4[%mul3A_2, %dma_wait3A_358] : memref<163840x128xf32, #tpu.memory_space<hbm>> -> memref<128x128xf32, #tpu.memory_space<hbm>>
        %dma_wait3A_360 = tpu.memref_slice %arg8[%dma_wait3A_353] : memref<5x!tpu.dma_semaphore, #tpu.memory_space<semaphore_mem>> -> memref<1x!tpu.dma_semaphore, #tpu.memory_space<semaphore_mem>>
        %dma_wait3A_361 = tpu.memref_squeeze %dma_wait3A_360 : memref<1x!tpu.dma_semaphore, #tpu.memory_space<semaphore_mem>> -> memref<!tpu.dma_semaphore, #tpu.memory_space<semaphore_mem>>
        %dma_wait3A_362 = arith.constant 0 : i32
        %dma_wait3A_363 = tpu.memref_slice %arg4[%mul3A_2, %dma_wait3A_362] : memref<163840x128xf32, #tpu.memory_space<hbm>> -> memref<128x128xf32, #tpu.memory_space<hbm>>
        %dma_wait3A_364 = arith.constant 0 : i32
        %dma_wait3A_365 = arith.constant 0 : i32
        %dma_wait3A_366 = tpu.memref_slice %arg6[%dma_wait3A_352, %dma_wait3A_364, %dma_wait3A_365] : memref<5x128x128xf32, #tpu.memory_space<vmem>> -> memref<1x128x128xf32, #tpu.memory_space<vmem>>
        %dma_wait3A_367 = tpu.memref_squeeze %dma_wait3A_366 : memref<1x128x128xf32, #tpu.memory_space<vmem>> -> memref<128x128xf32, #tpu.memory_space<vmem>>
        tpu.wait_dma2 semaphore(%dma_wait3A_361 : memref<!tpu.dma_semaphore, #tpu.memory_space<semaphore_mem>>) src(%dma_wait3A_367 : memref<128x128xf32, #tpu.memory_space<vmem>>) dst(%dma_wait3A_363 : memref<128x128xf32, #tpu.memory_space<hbm>>)
        %dma_start3A_368 = arith.constant 1 : i32
        %dma_start3A_369 = arith.constant 1 : i32
        %dma_start3A_370 = arith.constant 0 : i32
        %dma_start3A_371 = arith.constant 0 : i32
        %dma_start3A_372 = tpu.memref_slice %arg6[%dma_start3A_368, %dma_start3A_370, %dma_start3A_371] : memref<5x128x128xf32, #tpu.memory_space<vmem>> -> memref<1x128x128xf32, #tpu.memory_space<vmem>>
        %dma_start3A_373 = tpu.memref_squeeze %dma_start3A_372 : memref<1x128x128xf32, #tpu.memory_space<vmem>> -> memref<128x128xf32, #tpu.memory_space<vmem>>
        %dma_start3A_374 = arith.constant 0 : i32
        %dma_start3A_375 = tpu.memref_slice %arg5[%add3A_312, %dma_start3A_374] : memref<40x128xi32, #tpu.memory_space<vmem>> -> memref<1x128xi32, #tpu.memory_space<vmem>>
        %dma_start3A_376 = tpu.memref_squeeze %dma_start3A_375 : memref<1x128xi32, #tpu.memory_space<vmem>> -> memref<128xi32, #tpu.memory_space<vmem>>
        %dma_start3A_377 = arith.constant 0 : i32
        %dma_start3A_378 = arith.constant 0 : i32
        %dma_start3A_379 = tpu.memref_slice %arg3[%dma_start3A_377, %dma_start3A_378] : memref<1000000x128xf32, #tpu.memory_space<hbm>> -> memref<1000000x128xf32, #tpu.memory_space<hbm>>
        %dma_start3A_380 = tpu.memref_slice %arg7[%dma_start3A_369] : memref<5x!tpu.dma_semaphore, #tpu.memory_space<semaphore_mem>> -> memref<1x!tpu.dma_semaphore, #tpu.memory_space<semaphore_mem>>
        %dma_start3A_381 = tpu.memref_squeeze %dma_start3A_380 : memref<1x!tpu.dma_semaphore, #tpu.memory_space<semaphore_mem>> -> memref<!tpu.dma_semaphore, #tpu.memory_space<semaphore_mem>>
        tpu.enqueue_indirect_dma source(%dma_start3A_379 : memref<1000000x128xf32, #tpu.memory_space<hbm>>) target(%dma_start3A_373 : memref<128x128xf32, #tpu.memory_space<vmem>>) offsets(%dma_start3A_376 : memref<128xi32, #tpu.memory_space<vmem>>) semaphore(%dma_start3A_381 : memref<!tpu.dma_semaphore, #tpu.memory_space<semaphore_mem>>)
      } else {
      }
      %dma_wait3A_318 = arith.constant 0 : i32
      %dma_wait3A_319 = arith.constant 4 : i32
      %dma_wait3A_320 = arith.constant 4 : i32
      %dma_wait3A_321 = arith.constant 0 : i32
      %dma_wait3A_322 = arith.constant 0 : i32
      %dma_wait3A_323 = tpu.memref_slice %arg6[%dma_wait3A_319, %dma_wait3A_321, %dma_wait3A_322] : memref<5x128x128xf32, #tpu.memory_space<vmem>> -> memref<1x128x128xf32, #tpu.memory_space<vmem>>
      %dma_wait3A_324 = tpu.memref_squeeze %dma_wait3A_323 : memref<1x128x128xf32, #tpu.memory_space<vmem>> -> memref<128x128xf32, #tpu.memory_space<vmem>>
      %dma_wait3A_325 = arith.constant 0 : i32
      %dma_wait3A_326 = tpu.memref_slice %arg5[%dma_wait3A_318, %dma_wait3A_325] : memref<40x128xi32, #tpu.memory_space<vmem>> -> memref<1x128xi32, #tpu.memory_space<vmem>>
      %dma_wait3A_327 = tpu.memref_squeeze %dma_wait3A_326 : memref<1x128xi32, #tpu.memory_space<vmem>> -> memref<128xi32, #tpu.memory_space<vmem>>
      %dma_wait3A_328 = arith.constant 0 : i32
      %dma_wait3A_329 = arith.constant 0 : i32
      %dma_wait3A_330 = tpu.memref_slice %arg3[%dma_wait3A_328, %dma_wait3A_329] : memref<1000000x128xf32, #tpu.memory_space<hbm>> -> memref<1000000x128xf32, #tpu.memory_space<hbm>>
      %dma_wait3A_331 = tpu.memref_slice %arg7[%dma_wait3A_320] : memref<5x!tpu.dma_semaphore, #tpu.memory_space<semaphore_mem>> -> memref<1x!tpu.dma_semaphore, #tpu.memory_space<semaphore_mem>>
      %dma_wait3A_332 = tpu.memref_squeeze %dma_wait3A_331 : memref<1x!tpu.dma_semaphore, #tpu.memory_space<semaphore_mem>> -> memref<!tpu.dma_semaphore, #tpu.memory_space<semaphore_mem>>
      tpu.wait_indirect_dma semaphore(%dma_wait3A_332 : memref<!tpu.dma_semaphore, #tpu.memory_space<semaphore_mem>>) src(%dma_wait3A_330 : memref<1000000x128xf32, #tpu.memory_space<hbm>>) dst(%dma_wait3A_324 : memref<128x128xf32, #tpu.memory_space<vmem>>)
      %mul3A_333 = arith.constant 128 : i32
      %mul3A_334 = arith.muli %add3A_310, %mul3A_333 : i32
      %add3A_335 = arith.addi %mul3A_2, %mul3A_334 : i32
      %dma_start3A_336 = arith.constant 4 : i32
      %dma_start3A_337 = arith.constant 4 : i32
      %dma_start3A_338 = arith.constant 0 : i32
      %dma_start3A_339 = arith.constant 0 : i32
      %dma_start3A_340 = tpu.memref_slice %arg6[%dma_start3A_336, %dma_start3A_338, %dma_start3A_339] : memref<5x128x128xf32, #tpu.memory_space<vmem>> -> memref<1x128x128xf32, #tpu.memory_space<vmem>>
      %dma_start3A_341 = tpu.memref_squeeze %dma_start3A_340 : memref<1x128x128xf32, #tpu.memory_space<vmem>> -> memref<128x128xf32, #tpu.memory_space<vmem>>
      %dma_start3A_342 = arith.constant 0 : i32
      %dma_start3A_343 = tpu.memref_slice %arg4[%add3A_335, %dma_start3A_342] : memref<163840x128xf32, #tpu.memory_space<hbm>> -> memref<128x128xf32, #tpu.memory_space<hbm>>
      %dma_start3A_344 = tpu.memref_slice %arg8[%dma_start3A_337] : memref<5x!tpu.dma_semaphore, #tpu.memory_space<semaphore_mem>> -> memref<1x!tpu.dma_semaphore, #tpu.memory_space<semaphore_mem>>
      %dma_start3A_345 = tpu.memref_squeeze %dma_start3A_344 : memref<1x!tpu.dma_semaphore, #tpu.memory_space<semaphore_mem>> -> memref<!tpu.dma_semaphore, #tpu.memory_space<semaphore_mem>>
      %dma_start3A_346 = arith.constant 0 : i32
      %dma_start3A_347 = tpu.memref_slice %arg4[%add3A_335, %dma_start3A_346] : memref<163840x128xf32, #tpu.memory_space<hbm>> -> memref<128x128xf32, #tpu.memory_space<hbm>>
      %dma_start3A_348 = arith.constant 0 : i32
      %dma_start3A_349 = arith.constant 0 : i32
      %dma_start3A_350 = tpu.memref_slice %arg6[%dma_start3A_336, %dma_start3A_348, %dma_start3A_349] : memref<5x128x128xf32, #tpu.memory_space<vmem>> -> memref<1x128x128xf32, #tpu.memory_space<vmem>>
      %dma_start3A_351 = tpu.memref_squeeze %dma_start3A_350 : memref<1x128x128xf32, #tpu.memory_space<vmem>> -> memref<128x128xf32, #tpu.memory_space<vmem>>
      tpu.enqueue_dma source(%dma_start3A_351 : memref<128x128xf32, #tpu.memory_space<vmem>>) target(%dma_start3A_347 : memref<128x128xf32, #tpu.memory_space<hbm>>) target_semaphore(%dma_start3A_345 : memref<!tpu.dma_semaphore, #tpu.memory_space<semaphore_mem>>)
    }
    %scan3A_36 = arith.constant 8 : i32
    %dma_wait3A = arith.constant 0 : i32
    %dma_wait3A_37 = arith.constant 0 : i32
    %dma_wait3A_38 = arith.constant 0 : i32
    %dma_wait3A_39 = arith.constant 0 : i32
    %dma_wait3A_40 = tpu.memref_slice %arg6[%dma_wait3A, %dma_wait3A_38, %dma_wait3A_39] : memref<5x128x128xf32, #tpu.memory_space<vmem>> -> memref<1x128x128xf32, #tpu.memory_space<vmem>>
    %dma_wait3A_41 = tpu.memref_squeeze %dma_wait3A_40 : memref<1x128x128xf32, #tpu.memory_space<vmem>> -> memref<128x128xf32, #tpu.memory_space<vmem>>
    %dma_wait3A_42 = arith.constant 0 : i32
    %dma_wait3A_43 = tpu.memref_slice %arg4[%mul3A_2, %dma_wait3A_42] : memref<163840x128xf32, #tpu.memory_space<hbm>> -> memref<128x128xf32, #tpu.memory_space<hbm>>
    %dma_wait3A_44 = tpu.memref_slice %arg8[%dma_wait3A_37] : memref<5x!tpu.dma_semaphore, #tpu.memory_space<semaphore_mem>> -> memref<1x!tpu.dma_semaphore, #tpu.memory_space<semaphore_mem>>
    %dma_wait3A_45 = tpu.memref_squeeze %dma_wait3A_44 : memref<1x!tpu.dma_semaphore, #tpu.memory_space<semaphore_mem>> -> memref<!tpu.dma_semaphore, #tpu.memory_space<semaphore_mem>>
    %dma_wait3A_46 = arith.constant 0 : i32
    %dma_wait3A_47 = tpu.memref_slice %arg4[%mul3A_2, %dma_wait3A_46] : memref<163840x128xf32, #tpu.memory_space<hbm>> -> memref<128x128xf32, #tpu.memory_space<hbm>>
    %dma_wait3A_48 = arith.constant 0 : i32
    %dma_wait3A_49 = arith.constant 0 : i32
    %dma_wait3A_50 = tpu.memref_slice %arg6[%dma_wait3A, %dma_wait3A_48, %dma_wait3A_49] : memref<5x128x128xf32, #tpu.memory_space<vmem>> -> memref<1x128x128xf32, #tpu.memory_space<vmem>>
    %dma_wait3A_51 = tpu.memref_squeeze %dma_wait3A_50 : memref<1x128x128xf32, #tpu.memory_space<vmem>> -> memref<128x128xf32, #tpu.memory_space<vmem>>
    tpu.wait_dma2 semaphore(%dma_wait3A_45 : memref<!tpu.dma_semaphore, #tpu.memory_space<semaphore_mem>>) src(%dma_wait3A_51 : memref<128x128xf32, #tpu.memory_space<vmem>>) dst(%dma_wait3A_47 : memref<128x128xf32, #tpu.memory_space<hbm>>)
    %dma_wait3A_52 = arith.constant 1 : i32
    %dma_wait3A_53 = arith.constant 1 : i32
    %dma_wait3A_54 = arith.constant 0 : i32
    %dma_wait3A_55 = arith.constant 0 : i32
    %dma_wait3A_56 = tpu.memref_slice %arg6[%dma_wait3A_52, %dma_wait3A_54, %dma_wait3A_55] : memref<5x128x128xf32, #tpu.memory_space<vmem>> -> memref<1x128x128xf32, #tpu.memory_space<vmem>>
    %dma_wait3A_57 = tpu.memref_squeeze %dma_wait3A_56 : memref<1x128x128xf32, #tpu.memory_space<vmem>> -> memref<128x128xf32, #tpu.memory_space<vmem>>
    %dma_wait3A_58 = arith.constant 0 : i32
    %dma_wait3A_59 = tpu.memref_slice %arg4[%mul3A_2, %dma_wait3A_58] : memref<163840x128xf32, #tpu.memory_space<hbm>> -> memref<128x128xf32, #tpu.memory_space<hbm>>
    %dma_wait3A_60 = tpu.memref_slice %arg8[%dma_wait3A_53] : memref<5x!tpu.dma_semaphore, #tpu.memory_space<semaphore_mem>> -> memref<1x!tpu.dma_semaphore, #tpu.memory_space<semaphore_mem>>
    %dma_wait3A_61 = tpu.memref_squeeze %dma_wait3A_60 : memref<1x!tpu.dma_semaphore, #tpu.memory_space<semaphore_mem>> -> memref<!tpu.dma_semaphore, #tpu.memory_space<semaphore_mem>>
    %dma_wait3A_62 = arith.constant 0 : i32
    %dma_wait3A_63 = tpu.memref_slice %arg4[%mul3A_2, %dma_wait3A_62] : memref<163840x128xf32, #tpu.memory_space<hbm>> -> memref<128x128xf32, #tpu.memory_space<hbm>>
    %dma_wait3A_64 = arith.constant 0 : i32
    %dma_wait3A_65 = arith.constant 0 : i32
    %dma_wait3A_66 = tpu.memref_slice %arg6[%dma_wait3A_52, %dma_wait3A_64, %dma_wait3A_65] : memref<5x128x128xf32, #tpu.memory_space<vmem>> -> memref<1x128x128xf32, #tpu.memory_space<vmem>>
    %dma_wait3A_67 = tpu.memref_squeeze %dma_wait3A_66 : memref<1x128x128xf32, #tpu.memory_space<vmem>> -> memref<128x128xf32, #tpu.memory_space<vmem>>
    tpu.wait_dma2 semaphore(%dma_wait3A_61 : memref<!tpu.dma_semaphore, #tpu.memory_space<semaphore_mem>>) src(%dma_wait3A_67 : memref<128x128xf32, #tpu.memory_space<vmem>>) dst(%dma_wait3A_63 : memref<128x128xf32, #tpu.memory_space<hbm>>)
    %dma_wait3A_68 = arith.constant 2 : i32
    %dma_wait3A_69 = arith.constant 2 : i32
    %dma_wait3A_70 = arith.constant 0 : i32
    %dma_wait3A_71 = arith.constant 0 : i32
    %dma_wait3A_72 = tpu.memref_slice %arg6[%dma_wait3A_68, %dma_wait3A_70, %dma_wait3A_71] : memref<5x128x128xf32, #tpu.memory_space<vmem>> -> memref<1x128x128xf32, #tpu.memory_space<vmem>>
    %dma_wait3A_73 = tpu.memref_squeeze %dma_wait3A_72 : memref<1x128x128xf32, #tpu.memory_space<vmem>> -> memref<128x128xf32, #tpu.memory_space<vmem>>
    %dma_wait3A_74 = arith.constant 0 : i32
    %dma_wait3A_75 = tpu.memref_slice %arg4[%mul3A_2, %dma_wait3A_74] : memref<163840x128xf32, #tpu.memory_space<hbm>> -> memref<128x128xf32, #tpu.memory_space<hbm>>
    %dma_wait3A_76 = tpu.memref_slice %arg8[%dma_wait3A_69] : memref<5x!tpu.dma_semaphore, #tpu.memory_space<semaphore_mem>> -> memref<1x!tpu.dma_semaphore, #tpu.memory_space<semaphore_mem>>
    %dma_wait3A_77 = tpu.memref_squeeze %dma_wait3A_76 : memref<1x!tpu.dma_semaphore, #tpu.memory_space<semaphore_mem>> -> memref<!tpu.dma_semaphore, #tpu.memory_space<semaphore_mem>>
    %dma_wait3A_78 = arith.constant 0 : i32
    %dma_wait3A_79 = tpu.memref_slice %arg4[%mul3A_2, %dma_wait3A_78] : memref<163840x128xf32, #tpu.memory_space<hbm>> -> memref<128x128xf32, #tpu.memory_space<hbm>>
    %dma_wait3A_80 = arith.constant 0 : i32
    %dma_wait3A_81 = arith.constant 0 : i32
    %dma_wait3A_82 = tpu.memref_slice %arg6[%dma_wait3A_68, %dma_wait3A_80, %dma_wait3A_81] : memref<5x128x128xf32, #tpu.memory_space<vmem>> -> memref<1x128x128xf32, #tpu.memory_space<vmem>>
    %dma_wait3A_83 = tpu.memref_squeeze %dma_wait3A_82 : memref<1x128x128xf32, #tpu.memory_space<vmem>> -> memref<128x128xf32, #tpu.memory_space<vmem>>
    tpu.wait_dma2 semaphore(%dma_wait3A_77 : memref<!tpu.dma_semaphore, #tpu.memory_space<semaphore_mem>>) src(%dma_wait3A_83 : memref<128x128xf32, #tpu.memory_space<vmem>>) dst(%dma_wait3A_79 : memref<128x128xf32, #tpu.memory_space<hbm>>)
    %dma_wait3A_84 = arith.constant 3 : i32
    %dma_wait3A_85 = arith.constant 3 : i32
    %dma_wait3A_86 = arith.constant 0 : i32
    %dma_wait3A_87 = arith.constant 0 : i32
    %dma_wait3A_88 = tpu.memref_slice %arg6[%dma_wait3A_84, %dma_wait3A_86, %dma_wait3A_87] : memref<5x128x128xf32, #tpu.memory_space<vmem>> -> memref<1x128x128xf32, #tpu.memory_space<vmem>>
    %dma_wait3A_89 = tpu.memref_squeeze %dma_wait3A_88 : memref<1x128x128xf32, #tpu.memory_space<vmem>> -> memref<128x128xf32, #tpu.memory_space<vmem>>
    %dma_wait3A_90 = arith.constant 0 : i32
    %dma_wait3A_91 = tpu.memref_slice %arg4[%mul3A_2, %dma_wait3A_90] : memref<163840x128xf32, #tpu.memory_space<hbm>> -> memref<128x128xf32, #tpu.memory_space<hbm>>
    %dma_wait3A_92 = tpu.memref_slice %arg8[%dma_wait3A_85] : memref<5x!tpu.dma_semaphore, #tpu.memory_space<semaphore_mem>> -> memref<1x!tpu.dma_semaphore, #tpu.memory_space<semaphore_mem>>
    %dma_wait3A_93 = tpu.memref_squeeze %dma_wait3A_92 : memref<1x!tpu.dma_semaphore, #tpu.memory_space<semaphore_mem>> -> memref<!tpu.dma_semaphore, #tpu.memory_space<semaphore_mem>>
    %dma_wait3A_94 = arith.constant 0 : i32
    %dma_wait3A_95 = tpu.memref_slice %arg4[%mul3A_2, %dma_wait3A_94] : memref<163840x128xf32, #tpu.memory_space<hbm>> -> memref<128x128xf32, #tpu.memory_space<hbm>>
    %dma_wait3A_96 = arith.constant 0 : i32
    %dma_wait3A_97 = arith.constant 0 : i32
    %dma_wait3A_98 = tpu.memref_slice %arg6[%dma_wait3A_84, %dma_wait3A_96, %dma_wait3A_97] : memref<5x128x128xf32, #tpu.memory_space<vmem>> -> memref<1x128x128xf32, #tpu.memory_space<vmem>>
    %dma_wait3A_99 = tpu.memref_squeeze %dma_wait3A_98 : memref<1x128x128xf32, #tpu.memory_space<vmem>> -> memref<128x128xf32, #tpu.memory_space<vmem>>
    tpu.wait_dma2 semaphore(%dma_wait3A_93 : memref<!tpu.dma_semaphore, #tpu.memory_space<semaphore_mem>>) src(%dma_wait3A_99 : memref<128x128xf32, #tpu.memory_space<vmem>>) dst(%dma_wait3A_95 : memref<128x128xf32, #tpu.memory_space<hbm>>)
    %dma_wait3A_100 = arith.constant 4 : i32
    %dma_wait3A_101 = arith.constant 4 : i32
    %dma_wait3A_102 = arith.constant 0 : i32
    %dma_wait3A_103 = arith.constant 0 : i32
    %dma_wait3A_104 = tpu.memref_slice %arg6[%dma_wait3A_100, %dma_wait3A_102, %dma_wait3A_103] : memref<5x128x128xf32, #tpu.memory_space<vmem>> -> memref<1x128x128xf32, #tpu.memory_space<vmem>>
    %dma_wait3A_105 = tpu.memref_squeeze %dma_wait3A_104 : memref<1x128x128xf32, #tpu.memory_space<vmem>> -> memref<128x128xf32, #tpu.memory_space<vmem>>
    %dma_wait3A_106 = arith.constant 0 : i32
    %dma_wait3A_107 = tpu.memref_slice %arg4[%mul3A_2, %dma_wait3A_106] : memref<163840x128xf32, #tpu.memory_space<hbm>> -> memref<128x128xf32, #tpu.memory_space<hbm>>
    %dma_wait3A_108 = tpu.memref_slice %arg8[%dma_wait3A_101] : memref<5x!tpu.dma_semaphore, #tpu.memory_space<semaphore_mem>> -> memref<1x!tpu.dma_semaphore, #tpu.memory_space<semaphore_mem>>
    %dma_wait3A_109 = tpu.memref_squeeze %dma_wait3A_108 : memref<1x!tpu.dma_semaphore, #tpu.memory_space<semaphore_mem>> -> memref<!tpu.dma_semaphore, #tpu.memory_space<semaphore_mem>>
    %dma_wait3A_110 = arith.constant 0 : i32
    %dma_wait3A_111 = tpu.memref_slice %arg4[%mul3A_2, %dma_wait3A_110] : memref<163840x128xf32, #tpu.memory_space<hbm>> -> memref<128x128xf32, #tpu.memory_space<hbm>>
    %dma_wait3A_112 = arith.constant 0 : i32
    %dma_wait3A_113 = arith.constant 0 : i32
    %dma_wait3A_114 = tpu.memref_slice %arg6[%dma_wait3A_100, %dma_wait3A_112, %dma_wait3A_113] : memref<5x128x128xf32, #tpu.memory_space<vmem>> -> memref<1x128x128xf32, #tpu.memory_space<vmem>>
    %dma_wait3A_115 = tpu.memref_squeeze %dma_wait3A_114 : memref<1x128x128xf32, #tpu.memory_space<vmem>> -> memref<128x128xf32, #tpu.memory_space<vmem>>
    tpu.wait_dma2 semaphore(%dma_wait3A_109 : memref<!tpu.dma_semaphore, #tpu.memory_space<semaphore_mem>>) src(%dma_wait3A_115 : memref<128x128xf32, #tpu.memory_space<vmem>>) dst(%dma_wait3A_111 : memref<128x128xf32, #tpu.memory_space<hbm>>)
    return
  }
}

</mosaic_0001>

<sc_bundles>
// kernel: kernel.3.cloned.1.call-start
scs
__scs_entry_jumppad:
0x0: {  	(pc) =	sbr.rel $0x88, $3  }
0x1: {  	(tag) =	ssettag $0x0;
	lr =	simm.s32 $0x1  }
0x2: {  	[smem:$0x3F9F] =	sst lr;
	_ =	strace $0xD0000000  }
0x3: {  	_ = 	snop  }
0x4: {  	_ = 	snop  }
0x5: {  	_ = 	snop  }
0x6: {  	_ = 	snop  }
0x7: {  	_ = 	snop  }
__scs_overlays_trampoline_lowered:
0x8: {  	[smem:$0x3FAE] =	sst s0  }
0x9: {  	[smem:$0x3FAF] =	sst s1  }
0xa: {  	[smem:$0x3FB0] =	sst s2  }
0xb: {  	[smem:$0x3FB1] =	sst s3  }
0xc: {  	[smem:$0x3FB2] =	sst s4  }
0xd: {  	[smem:$0x3FB3] =	sst s5  }
0xe: {  	[smem:$0x3FB4] =	sst s6  }
0xf: {  	[smem:$0x3FB5] =	sst s7  }
0x10: {  	[smem:$0x3FB6] =	sst s8  }
0x11: {  	[smem:$0x3FB7] =	sst s9;
	s0 =	simm.s32 @!p0 $0x0  }
0x12: {  	s1 =	sld [smem:$0x3F9D];
	s0 =	simm.s32 @p0 $0x1  }
0x13: {  	[smem:$0x3FB8] =	sst s0;
	s0 =	simm.s32 @!p1 $0x0  }
0x14: {  	s2 =	sld [smem:$0x3F9C];
	s0 =	simm.s32 @p1 $0x1  }
0x15: {  	[smem:$0x3FB9] =	sst s0;
	s0 =	simm.s32 @!p2 $0x0  }
0x16: {  	s3 =	sld [smem:$0x3FDB];
	s0 =	simm.s32 @p2 $0x1  }
0x17: {  	s4 =	simm.s32 $0x1BF5;
	[smem:$0x3FBB] =	sst s0  }
0x18: {  	s0 =	sld [smem:$0x3F9E];
	_ =	swait.ge [sflag:s4], $0x0  }
0x19: {  	s7 =	sld [smem:$0x3F9F]  }
0x1a: {  	s8 =	sadd.s32 $0xFFFFE003, lr  }
0x1b: {  	s9 =	sadd.s32 $0xFFFFFEF7, lr;
	s5 =	simm.s32 $0xFFFFFFFF;
	p2 =	slt.u32 s8, $0xFFFFF086  }
0x1c: {  	p1 =	slt.u32 s9, $0xF7A;
	s5 =	simm.s32 @!p2 $0x0  }
0x1d: {  	s5 =	simm.s32 @p1 $0x1;
	p0 =	seq.s32 s7, s2  }
0x1e: {  	s7 =	smul.u32 @!p0 $0xF7A, s2;
	p2 =	seq.s32 @!p0 s5, $0x0  }
0x1f: {  	s9 =	smul.u32 $0xF7A, s1;
	s8 =	simm.s32 @!p0 $0x1BF5;
	p2 =	por !p2, p0  }
0x20: {  	[sflag:s8] =	ssyncset.s32 @!p0 $0xFFFFF086;
	s6 =	sadd.s32 @!p0 s3, s7;
	s7 =	simm.s32 @!p0 $0x108  }
0x21: {  	s3 =	sadd.s32 s3, s9;
	s6 =	sadd.s32 @!p0 $0x88, s6;
	s7 =	simm.s32 @p2 $0x1082  }
0x22: {  	[simem:s7], [sflag:s8] =	dma.local @!p0 [hbm:s6], $0xF7A  }
0x23: {  	s9 =	sor.u32 $0xD0000000, s2;
	s6 =	simm.s32 $0x108;
	_ =	swait.ge @!p0 [sflag:s8], $0x0  }
0x24: {  	s3 =	sadd.s32 $0x88, s3;
	s6 =	simm.s32 @!p1 $0x1082;
	[sflag:s4] =	ssyncset.s32 $0xFFFFF086  }
0x25: {  	[simem:s6], [sflag:s4] =	dma.local [hbm:s3], $0xF7A  }
0x26: {  	[smem:$0x3F9F] =	sst s1;
	(tag) =	ssettag s2;
	_ =	strace s9  }
0x27: {  	s1 =	sld [smem:$0x3FAF]  }
0x28: {  	s2 =	sld [smem:$0x3FB0]  }
0x29: {  	s4 =	sld [smem:$0x3FB2]  }
0x2a: {  	p0 =	seq.s32 s5, $0x0;
	s5 =	sld [smem:$0x3FB3]  }
0x2b: {  	s6 =	sld [smem:$0x3FB4]  }
0x2c: {  	s7 =	sld [smem:$0x3FB5]  }
0x2d: {  	s3 =	simm.s32 $0x108;
	s8 =	sld [smem:$0x3FB6]  }
0x2e: {  	s3 =	simm.s32 @!p0 $0x1082;
	s9 =	sld [smem:$0x3FB7]  }
0x2f: {  	lr =	sadd.s32 s0, s3;
	s0 =	sld [smem:$0x3FAE]  }
0x30: {  	s3 =	sld [smem:$0x3FB1]  }
0x31: {  	[smem:$0x3FBA] =	sst s10  }
0x32: {  	s10 =	sld [smem:$0x3FB8];
	_ =	sdelay $0x3  }
0x33: {  	p0 =	seq.s32 s10, $0x1;
	s10 =	sld [smem:$0x3FBA];
	_ =	sdelay $0x3  }
0x34: {  	[smem:$0x3FBA] =	sst s10  }
0x35: {  	s10 =	sld [smem:$0x3FB9];
	_ =	sdelay $0x3  }
0x36: {  	p1 =	seq.s32 s10, $0x1;
	s10 =	sld [smem:$0x3FBA];
	_ =	sdelay $0x3  }
0x37: {  	[smem:$0x3FBA] =	sst s10  }
0x38: {  	s10 =	sld [smem:$0x3FBB]  }
0x39: {  	_ = 	snop;
	(pc) =	sbr.ind lr, $3  }
0x3a: {  	_ = 	snop  }
0x3b: {  	_ = 	snop  }
0x3c: {  	p2 =	seq.s32 s10, $0x1;
	s10 =	sld [smem:$0x3FBA]  }
0x3d: {  	_ =	shalt  }
0x3e: {  	_ =	shalt  }
0x3f: {  	_ =	shalt  }
0x40: {  	_ =	shalt  }
0x41: {  	_ =	shalt  }
0x42: {  	_ =	shalt  }
0x43: {  	_ =	shalt  }
0x44: {  	_ =	shalt  }
0x45: {  	_ =	shalt  }
0x46: {  	_ =	shalt  }
0x47: {  	_ =	shalt  }
0x48: {  	_ =	shalt  }
0x49: {  	_ =	shalt  }
0x4a: {  	_ =	shalt  }
0x4b: {  	_ =	shalt  }
0x4c: {  	_ =	shalt  }
0x4d: {  	_ =	shalt  }
0x4e: {  	_ =	shalt  }
0x4f: {  	_ =	shalt  }
0x50: {  	_ =	shalt  }
0x51: {  	_ =	shalt  }
0x52: {  	_ =	shalt  }
0x53: {  	_ =	shalt  }
0x54: {  	_ =	shalt  }
0x55: {  	_ =	shalt  }
0x56: {  	_ =	shalt  }
0x57: {  	_ =	shalt  }
0x58: {  	_ =	shalt  }
0x59: {  	_ =	shalt  }
0x5a: {  	_ =	shalt  }
0x5b: {  	_ =	shalt  }
0x5c: {  	_ =	shalt  }
0x5d: {  	_ =	shalt  }
0x5e: {  	_ =	shalt  }
0x5f: {  	_ =	shalt  }
0x60: {  	_ =	shalt  }
0x61: {  	_ =	shalt  }
0x62: {  	_ =	shalt  }
0x63: {  	_ =	shalt  }
0x64: {  	_ =	shalt  }
0x65: {  	_ =	shalt  }
0x66: {  	_ =	shalt  }
0x67: {  	_ =	shalt  }
0x68: {  	_ =	shalt  }
0x69: {  	_ =	shalt  }
0x6a: {  	_ =	shalt  }
0x6b: {  	_ =	shalt  }
0x6c: {  	_ =	shalt  }
0x6d: {  	_ =	shalt  }
0x6e: {  	_ =	shalt  }
0x6f: {  	_ =	shalt  }
0x70: {  	_ =	shalt  }
0x71: {  	_ =	shalt  }
0x72: {  	_ =	shalt  }
0x73: {  	_ =	shalt  }
0x74: {  	_ =	shalt  }
0x75: {  	_ =	shalt  }
0x76: {  	_ =	shalt  }
0x77: {  	_ =	shalt  }
0x78: {  	_ =	shalt  }
0x79: {  	_ =	shalt  }
0x7a: {  	_ =	shalt  }
0x7b: {  	_ =	shalt  }
0x7c: {  	_ =	shalt  }
0x7d: {  	_ =	shalt  }
0x7e: {  	_ =	shalt  }
0x7f: {  	_ =	shalt  }
0x80: {  	_ =	shalt  }
0x81: {  	_ =	shalt  }
0x82: {  	_ =	shalt  }
0x83: {  	_ =	shalt  }
0x84: {  	_ =	shalt  }
0x85: {  	_ =	shalt  }
0x86: {  	_ =	shalt  }
0x87: {  	_ =	shalt  }
.Lfunc_end0:
.L_simem_size_0:
called_computation_lowered:
.L_overlay_start_0:
0x88: {  	s2 =	sld [smem:$0x3FD9]  }
0x89: {  	s3 =	sld [smem:$0x3FFE];
	_ =	sdelay $0x1  }
0x8a: {  	s1 =	srdreg.scid  }
0x8b: {  	s0 =	sand.u32 $0x1, s1  }
0x8c: {  	s17 =	sshll.u32 s0, $0xA;
	s2 =	sadd.s32 s3, s2  }
0x8d: {  	s2 =	sadd.s32 s2, s17  }
0x8e: {  	[smem:$0x3FC6] =	sst s2  }
0x8f: {  	_ = 	snop  }
0x90: {  	s2 =	sld [smem:$0x3FD0];
	(tm) =	ssettm $0x1  }
0x91: {  	s18 =	sld [smem:$0x3FFB];
	_ =	sdelay $0x3  }
0x92: {  	_ =	strace s18  }
0x93: {  	s3 =	sld [smem:$0x3FFC];
	_ =	sdelay $0x3  }
0x94: {  	_ =	strace s3  }
0x95: {  	s3 =	sld [smem:$0x3FFD];
	_ =	sdelay $0x3  }
0x96: {  	_ =	strace s3  }
0x97: {  	_ =	strace $0x8FFFFFFF  }
0x98: {  	s19 =	sld [smem:$0x3FDB];
	_ =	sdelay $0x1  }
0x99: {  	s4 =	simm.s32 $_scs_section_size  }
0x9a: {  	s5 =	simm.s32 $_size__tile_overlayer_lowered;
	s6 =	simm.s32 $_tile_overlayer_lowered  }
0x9b: {  	s22 =	simm.s32 $0x1BFF;
	s21 =	sshll.u32 s6, $0x1;
	s3 =	sadd.s32 s4, s19  }
0x9c: {  	s7 =	simm.s32 $0x0;
	s20 =	sshll.u32 s5, $0x1;
	s5 =	sadd.s32 s21, s3  }
0x9d: {  	[timem:s7], [sflag:s22] =	dma.local [hbm:s5], s20  }
0x9e: {  	_ =	swait.ge [sflag:s22], s20  }
0x9f: {  	s4 =	ssub.s32 $0x0, s20;
	[sflag:s22] =	ssyncset.done $0x0  }
0xa0: {  	[sflag:s22] =	ssyncadd.s32 s4;
	_ =	sdelay $0x1  }
0xa1: {  	s23 =	simm.s32 $0x1B8B  }
0xa2: {  	_ =	swait.ge [sflag:s23], $0x1  }
0xa3: {  	[sflag:s23] =	ssyncset.done $0x0  }
0xa4: {  	s25 =	simm.s32 $0x1B8E;
	s24 =	sld [smem:$0x3FFE];
	[sflag:s23] =	ssyncadd.s32 $0xFFFFFFFF  }
0xa5: {  	s26 =	simm.s32 $execute0_lowered;
	[smem:$0x3FD2] =	sst s25  }
0xa6: {  	s5 =	sshll.u32 s26, $0x1;
	_ =	strace $0x80000046;
	[dreg:$0x1] =	wrdreg $0xFFFFFFFF  }
0xa7: {  	s28 =	simm.s32 $_size_execute0_lowered;
	s3 =	sadd.s32 s3, s5;
	[dreg:$0x0] =	wrdreg $0x0  }
0xa8: {  	s5 =	sshll.u32 s28, $0x1;
	[dreg:$0x2] =	wrdreg s3  }
0xa9: {  	[dreg:$0x3] =	wrdreg s5  }
0xaa: {  	[dreg:$0x4] =	wrdreg $0xC0  }
0xab: {  	_ =	task [dreg:s7], $0x5FFFF  }
0xac: {  	[dreg:$0x1] =	wrdreg $0xFFFFFFFF  }
0xad: {  	[dreg:$0x0] =	wrdreg $0x60  }
0xae: {  	[dreg:$0x2] =	wrdreg s2  }
0xaf: {  	[dreg:$0x3] =	wrdreg s24  }
0xb0: {  	[dreg:$0x4] =	wrdreg $0x9  }
0xb1: {  	_ =	task.clear_ibuf [dreg:s7], $0x5FFFF;
	_ =	strace $0x90000046  }
0xb2: {  	s29 =	simm.s32 $0x9;
	_ =	strace $0x80000048  }
0xb3: {  	_ =	swait.ge [sflag:s29], $0x1  }
0xb4: {  	[sflag:s29] =	ssyncadd.s32 $0xFFFFFFFF  }
0xb5: {  	_ =	strace $0x90000048  }
0xb6: {  	_ =	sfence  }
0xb7: {  	s30 =	sld [smem:$0x0];
	_ =	sdelay $0x2  }
0xb8: {  	s31 =	sshll.u32 s1, $0xD;
	s1 =	sshrl.u32 s1, $0x2  }
0xb9: {  	s3 =	sand.u32 $0x4000, s31;
	s1 =	sadd.s32 s1, s30  }
0xba: {  	s0 =	sor.u32 s3, s0;
	s1 =	sshll.u32 s1, $0x11  }
0xbb: {  	s0 =	sor.u32 s1, s0  }
0xbc: {  	s0 =	sadd.s32 $0x8F2B, s0  }
0xbd: {  	[sflag:s0] =	ssyncadd.remote.s32 $0x1  }
0xbe: {  	_ =	sfence.sel $0xFFFF  }
0xbf: {  	[dreg:$0x0] =	wrdreg $0xFFFFFFFF;
	(pc) =	sbr.abs _section_cstart, $3  }
0xc0: {  	[dreg:$0x1] =	wrdreg $0xFFFFFFFF  }
0xc1: {  	_ =	task.clear_ibuf [dreg:s7], $0x2FFFF;
	_ =	strace $0x9FFFFFFF  }
0xc2: {  	(tm) =	ssettm $0x7FFFFFFF  }
0xc3: {  	_ =	shalt  }
tec
execute0_lowered:
.L_overlay_start_1:
0x0: {  	(tag) =	ssettag $0x1  }
0x1: {  	s0 =	rddreg [dreg:$0x0];
	s1 =	srdreg.scid  }
0x2: {  	s10 =	stileid.u32;
	s4 =	rddreg [dreg:$0x1];
	s2 =	simm.s32 $0x0  }
0x3: {  	s11 =	simm.s32 $0x80;
	s12 =	simm.s32 $0x1400;
	s13 =	simm.s32 $0x5400  }
0x4: {  	s14 =	simm.s32 $0x9400;
	s15 =	simm.s32 $0x1;
	s16 =	simm.s32 $0xD400  }
0x5: {  	s17 =	simm.s32 $0x2;
	s18 =	simm.s32 $0x11400;
	s19 =	simm.s32 $0x3  }
0x6: {  	s20 =	simm.s32 $0x4;
	s21 =	simm.s32 $0x5;
	s6 =	smul.u32 $0x28000, s10  }
0x7: {  	s1 =	sand.u32 $0x1, s1;
	s3 =	sshll.u32 s10, $0x1;
	s10 =	smul.u32 $0x140000, s10  }
0x8: {  	s28 =	simm.s32 $0x0;
	[smem:$0x7FF] =	sst s2;
	s8 =	smul.u32 $0x14000, s1  }
0x9: {  	s3 =	sor.u32 s1, s3;
	s7 =	ssub.s32 $0x2, s1;
	s1 =	smul.u32 $0xA0000, s1  }
0xa: {  	s5 =	smul.u32 $0x1400, s3;
	s3 =	sadd.s32 $0xF42A00, s4;
	s4 =	sadd.s32 $0x600, s4  }
0xb: {  	_ =	strace $0x80000047;
	s9 =	sshrl.u32 s7, $0x1;
	s6 =	sadd.s32 s6, s4  }
0xc: {  	s7 =	ssub.s32 s7, s9;
	s29 =	sadd.s32 s1, s10;
	s5 =	sshrl.u32 s5, $0x3  }
0xd: {  	s25 =	sadd.s32 s8, s6;
	s26 =	smax.u32 s7, $0x1;
	s1 =	sor.u32 $0x10000, s29  }
0xe: {  	s30 =	sor.u32 $0xC000, s29;
	s0 =	sadd.s32 s0, s5;
	[dreg:$0x4] =	wrdreg s26  }
0xf: {  	s6 =	sadd.s32 $0x800, s25;
	[dreg:$0x3] =	wrdreg s0;
	s0 =	sor.u32 $0x8000, s29  }
0x10: {  	s1 =	sshrl.u32 s1, $0x3;
	s31 =	sshrl.u32 s30, $0x3;
	s0 =	sshrl.u32 s0, $0x3  }
0x11: {  	s5 =	sadd.s32 s1, s4;
	s8 =	sadd.s32 s31, s4;
	s9 =	sadd.s32 s0, s4  }
.LBB2_1:
0x12: {  	s0 =	rddreg [dreg:$0x3];
	s25 =	simm.s32 $0xB  }
0x13: {  	[tilespmem:s2], [sflag:$0xB] =	stream.linear.gather [hbm4b:s0+s2], $0x1400, $0x38;
	[tilespmem:$0x15400] =	vst v63  }
0x14: {  	_ =	swait.ge [sflag:s25], $0x1400  }
0x15: {  	[sflag:s25] =	ssyncset.done $0x0  }
0x16: {  	p0 =	por $0x1, $0x1;
	[sflag:s25] =	ssyncadd.s32 $0xFFFFEC00  }
0x17: {  	[tilespmem:s12], [sflag:$0x1] =	stream.indirect.gather [hbm4b:s3+s11], $0x80, s2, s11, $0xb8;
	[tilespmem:$0x15400] =	vst v63  }
0x18: {  	s0 =	simm.s32 @!p0 $0x8  }
0x19: {  	[tilespmem:s13], [sflag:$0x2] =	stream.indirect.gather [hbm4b:s3+s11], $0x80, s11, s11, $0xb8;
	[tilespmem:$0x15400] =	vst v63  }
0x1a: {  	_ =	swait.ge @!p0 [sflag:s0], $0x4000  }
0x1b: {  	s1 =	simm.s32 @!p0 $0x100;
	[sflag:s0] =	ssyncset.done @!p0 $0x0  }
0x1c: {  	s1 =	simm.s32 @p0 $0x100;
	[sflag:s0] =	ssyncadd.s32 @!p0 $0xFFFFC000  }
0x1d: {  	[tilespmem:s14], [sflag:$0x3] =	stream.indirect.gather [hbm4b:s3+s11], $0x80, s1, s11, $0xb8;
	[tilespmem:$0x15400] =	vst v63  }
0x1e: {  	_ =	swait.ge [sflag:s15], $0x4000  }
0x1f: {  	[sflag:s15] =	ssyncset.done $0x0  }
0x20: {  	s26 =	sadd.s32 $0xFFFFF800, s6;
	s1 =	simm.s32 @!p0 $0x9;
	[sflag:s15] =	ssyncadd.s32 $0xFFFFC000  }
0x21: {  	[hbm4b:s26+s2] =	stream.linear.scatter [tilespmem:s12], [sflag:$0x6], $0x4000, $0x38;
	[tilespmem:$0x15400] =	vst v63  }
0x22: {  	_ =	swait.ge @!p0 [sflag:s1], $0x4000  }
0x23: {  	s0 =	simm.s32 @!p0 $0x180;
	[sflag:s1] =	ssyncset.done @!p0 $0x0  }
0x24: {  	s0 =	simm.s32 @p0 $0x180;
	[sflag:s1] =	ssyncadd.s32 @!p0 $0xFFFFC000  }
0x25: {  	[tilespmem:s16], [sflag:$0x4] =	stream.indirect.gather [hbm4b:s3+s11], $0x80, s0, s11, $0xb8;
	[tilespmem:$0x15400] =	vst v63  }
0x26: {  	_ =	swait.ge [sflag:s17], $0x4000  }
0x27: {  	[sflag:s17] =	ssyncset.done $0x0  }
0x28: {  	s0 =	simm.s32 @!p0 $0xA;
	[sflag:s17] =	ssyncadd.s32 $0xFFFFC000  }
0x29: {  	[hbm4b:s6+s2] =	stream.linear.scatter [tilespmem:s13], [sflag:$0x7], $0x4000, $0x38;
	[tilespmem:$0x15400] =	vst v63  }
0x2a: {  	_ =	swait.ge @!p0 [sflag:s0], $0x4000  }
0x2b: {  	s1 =	simm.s32 @!p0 $0x200;
	[sflag:s0] =	ssyncset.done @!p0 $0x0  }
0x2c: {  	s1 =	simm.s32 @p0 $0x200;
	[sflag:s0] =	ssyncadd.s32 @!p0 $0xFFFFC000  }
0x2d: {  	[tilespmem:s18], [sflag:$0x5] =	stream.indirect.gather [hbm4b:s3+s11], $0x80, s1, s11, $0xb8;
	[tilespmem:$0x15400] =	vst v63  }
0x2e: {  	_ =	swait.ge [sflag:s19], $0x4000  }
0x2f: {  	p0 =	por $0x0, $0x0;
	[sflag:s19] =	ssyncset.done $0x0  }
0x30: {  	s0 =	simm.s32 @!p0 $0x6;
	[sflag:s19] =	ssyncadd.s32 $0xFFFFC000  }
0x31: {  	[hbm4b:s9+s2] =	stream.linear.scatter [tilespmem:s14], [sflag:$0x8], $0x4000, $0x38;
	[tilespmem:$0x15400] =	vst v63  }
0x32: {  	_ =	swait.ge @!p0 [sflag:s0], $0x4000  }
0x33: {  	s1 =	simm.s32 @!p0 $0x280;
	[sflag:s0] =	ssyncset.done @!p0 $0x0  }
0x34: {  	s7 =	simm.s32 @!p0 $0x80;
	s4 =	simm.s32 @!p0 $0x1400;
	[sflag:s0] =	ssyncadd.s32 @!p0 $0xFFFFC000  }
0x35: {  	[tilespmem:s4], [sflag:$0x1] =	stream.indirect.gather @!p0 [hbm4b:s3+s7], $0x80, s1, s7, $0xb8;
	[tilespmem:$0x15400] =	vst v63  }
0x36: {  	_ =	swait.ge [sflag:s20], $0x4000  }
0x37: {  	[sflag:s20] =	ssyncset.done $0x0  }
0x38: {  	s0 =	simm.s32 @!p0 $0x7;
	[sflag:s20] =	ssyncadd.s32 $0xFFFFC000  }
0x39: {  	[hbm4b:s8+s2] =	stream.linear.scatter [tilespmem:s16], [sflag:$0x9], $0x4000, $0x38;
	[tilespmem:$0x15400] =	vst v63  }
0x3a: {  	s31 =	sadd.s32 $0x2800, s9;
	_ =	swait.ge @!p0 [sflag:s0], $0x4000  }
0x3b: {  	s29 =	simm.s32 @!p0 $0x300;
	s30 =	simm.s32 @!p0 $0x5400;
	[sflag:s0] =	ssyncset.done @!p0 $0x0  }
0x3c: {  	s1 =	simm.s32 $0xA00;
	s4 =	simm.s32 $0x1400;
	[sflag:s0] =	ssyncadd.s32 @!p0 $0xFFFFC000  }
0x3d: {  	[tilespmem:s30], [sflag:$0x2] =	stream.indirect.gather @!p0 [hbm4b:s3+s7], $0x80, s29, s7, $0xb8;
	[tilespmem:$0x15400] =	vst v63  }
0x3e: {  	s0 =	sadd.s32 $0x2800, s6;
	s29 =	sadd.s32 $0x2800, s5;
	s30 =	sadd.s32 $0x2800, s8  }
0x3f: {  	p0 =	por $0x0, $0x0;
	s7 =	smov.u32 s5;
	_ =	swait.ge [sflag:s21], $0x4000  }
.LBB2_2:
0x40: {  	s10 =	simm.s32 @!p0 $0x8;
	s22 =	sshra.s32 @!p0 s1, $0x2;
	[sflag:s21] =	ssyncset.done $0x0  }
0x41: {  	s23 =	sadd.s32 @!p0 $0x100, s22;
	s24 =	sadd.s32 @!p0 $0x180, s22;
	[sflag:s21] =	ssyncadd.s32 $0xFFFFC000  }
0x42: {  	[hbm4b:s7+s2] =	stream.linear.scatter [tilespmem:s18], [sflag:$0xA], $0x4000, $0x38;
	[tilespmem:$0x15400] =	vst v63  }
0x43: {  	s22 =	sadd.s32 @!p0 $0x200, s22;
	s23 =	simm.s32 @p0 $0x100;
	_ =	swait.ge @!p0 [sflag:s10], $0x4000  }
0x44: {  	s24 =	simm.s32 @p0 $0x180;
	s22 =	simm.s32 @p0 $0x200;
	[sflag:s10] =	ssyncset.done @!p0 $0x0  }
0x45: {  	[sflag:s10] =	ssyncadd.s32 @!p0 $0xFFFFC000;
	s10 =	smov.u32 s4;
	s4 =	sadd.s32 $0xA00, s4  }
0x46: {  	[tilespmem:s14], [sflag:$0x3] =	stream.indirect.gather [hbm4b:s3+s11], $0x80, s23, s11, $0xb8;
	[tilespmem:$0x15400] =	vst v63  }
0x47: {  	s7 =	smov.u32 s29;
	p1 =	sne.s32 s4, $0x5000;
	_ =	swait.ge [sflag:s15], $0x4000  }
0x48: {  	s25 =	simm.s32 @!p0 $0x9;
	s23 =	sadd.s32 $0xFFFFF800, s0;
	[sflag:s15] =	ssyncset.done $0x0  }
0x49: {  	[sflag:s15] =	ssyncadd.s32 $0xFFFFC000  }
0x4a: {  	[hbm4b:s23+s2] =	stream.linear.scatter [tilespmem:s12], [sflag:$0x6], $0x4000, $0x38;
	[tilespmem:$0x15400] =	vst v63  }
0x4b: {  	_ =	swait.ge @!p0 [sflag:s25], $0x4000  }
0x4c: {  	[sflag:s25] =	ssyncset.done @!p0 $0x0  }
0x4d: {  	[sflag:s25] =	ssyncadd.s32 @!p0 $0xFFFFC000  }
0x4e: {  	[tilespmem:s16], [sflag:$0x4] =	stream.indirect.gather [hbm4b:s3+s11], $0x80, s24, s11, $0xb8;
	[tilespmem:$0x15400] =	vst v63  }
0x4f: {  	_ =	swait.ge [sflag:s17], $0x4000  }
0x50: {  	s23 =	simm.s32 @!p0 $0xA;
	[sflag:s17] =	ssyncset.done $0x0  }
0x51: {  	[sflag:s17] =	ssyncadd.s32 $0xFFFFC000  }
0x52: {  	[hbm4b:s0+s2] =	stream.linear.scatter [tilespmem:s13], [sflag:$0x7], $0x4000, $0x38;
	[tilespmem:$0x15400] =	vst v63  }
0x53: {  	_ =	swait.ge @!p0 [sflag:s23], $0x4000  }
0x54: {  	[sflag:s23] =	ssyncset.done @!p0 $0x0  }
0x55: {  	[sflag:s23] =	ssyncadd.s32 @!p0 $0xFFFFC000  }
0x56: {  	[tilespmem:s18], [sflag:$0x5] =	stream.indirect.gather [hbm4b:s3+s11], $0x80, s22, s11, $0xb8;
	[tilespmem:$0x15400] =	vst v63  }
0x57: {  	_ =	swait.ge [sflag:s19], $0x4000  }
0x58: {  	p0 =	seq.s32 s1, $0x4600;
	[sflag:s19] =	ssyncset.done $0x0  }
0x59: {  	s22 =	simm.s32 @!p0 $0x6;
	s1 =	sshra.s32 @!p0 s1, $0x2;
	[sflag:s19] =	ssyncadd.s32 $0xFFFFC000  }
0x5a: {  	[hbm4b:s31+s2] =	stream.linear.scatter [tilespmem:s14], [sflag:$0x8], $0x4000, $0x38;
	[tilespmem:$0x15400] =	vst v63  }
0x5b: {  	s23 =	sadd.s32 @!p0 $0x280, s1;
	s24 =	sadd.s32 @!p0 $0x300, s1;
	_ =	swait.ge @!p0 [sflag:s22], $0x4000  }
0x5c: {  	s25 =	simm.s32 @!p0 $0x80;
	s26 =	simm.s32 @!p0 $0x1400;
	[sflag:s22] =	ssyncset.done @!p0 $0x0  }
0x5d: {  	s1 =	smov.u32 s10;
	[sflag:s22] =	ssyncadd.s32 @!p0 $0xFFFFC000  }
0x5e: {  	[tilespmem:s26], [sflag:$0x1] =	stream.indirect.gather @!p0 [hbm4b:s3+s25], $0x80, s23, s25, $0xb8;
	[tilespmem:$0x15400] =	vst v63  }
0x5f: {  	_ =	swait.ge [sflag:s20], $0x4000  }
0x60: {  	[sflag:s20] =	ssyncset.done $0x0  }
0x61: {  	s10 =	simm.s32 @!p0 $0x7;
	[sflag:s20] =	ssyncadd.s32 $0xFFFFC000  }
0x62: {  	[hbm4b:s30+s2] =	stream.linear.scatter [tilespmem:s16], [sflag:$0x9], $0x4000, $0x38;
	[tilespmem:$0x15400] =	vst v63  }
.Ltmp0:
0x63: {  	_ =	swait.ge @!p0 [sflag:s10], $0x4000;
	(pc) =	sbr.rel @p1 .LBB2_2-.Ltmp0, $4  }
0x64: {  	s31 =	sadd.s32 $0x2800, s31;
	s22 =	simm.s32 @!p0 $0x5400;
	[sflag:s10] =	ssyncset.done @!p0 $0x0  }
0x65: {  	s29 =	sadd.s32 $0x2800, s29;
	s30 =	sadd.s32 $0x2800, s30;
	[sflag:s10] =	ssyncadd.s32 @!p0 $0xFFFFC000  }
0x66: {  	[tilespmem:s22], [sflag:$0x2] =	stream.indirect.gather @!p0 [hbm4b:s3+s25], $0x80, s24, s25, $0xb8;
	[tilespmem:$0x15400] =	vst v63  }
0x67: {  	s0 =	sadd.s32 $0x2800, s0;
	p0 =	seq.s32 s1, $0x0;
	_ =	swait.ge [sflag:s21], $0x4000  }
0x68: {  	[sflag:s21] =	ssyncset.done $0x0  }
0x69: {  	s4 =	simm.s32 @!p0 $0x8;
	[sflag:s21] =	ssyncadd.s32 $0xFFFFC000  }
0x6a: {  	[hbm4b:s7+s2] =	stream.linear.scatter [tilespmem:s18], [sflag:$0xA], $0x4000, $0x38;
	[tilespmem:$0x15400] =	vst v63  }
0x6b: {  	s7 =	sshra.s32 @!p0 s1, $0x2;
	_ =	swait.ge @!p0 [sflag:s4], $0x4000  }
0x6c: {  	s10 =	sadd.s32 @!p0 $0x100, s7;
	[sflag:s4] =	ssyncset.done @!p0 $0x0  }
0x6d: {  	s10 =	simm.s32 @p0 $0x100;
	[sflag:s4] =	ssyncadd.s32 @!p0 $0xFFFFC000  }
0x6e: {  	[tilespmem:s14], [sflag:$0x3] =	stream.indirect.gather [hbm4b:s3+s11], $0x80, s10, s11, $0xb8;
	[tilespmem:$0x15400] =	vst v63  }
0x6f: {  	_ =	swait.ge [sflag:s15], $0x4000  }
0x70: {  	[sflag:s15] =	ssyncset.done $0x0  }
0x71: {  	s23 =	sadd.s32 $0xFFFFF800, s0;
	s10 =	simm.s32 @!p0 $0x9;
	[sflag:s15] =	ssyncadd.s32 $0xFFFFC000  }
0x72: {  	[hbm4b:s23+s2] =	stream.linear.scatter [tilespmem:s12], [sflag:$0x6], $0x4000, $0x38;
	[tilespmem:$0x15400] =	vst v63  }
0x73: {  	_ =	swait.ge @!p0 [sflag:s10], $0x4000  }
0x74: {  	s4 =	sadd.s32 @!p0 $0x180, s7;
	[sflag:s10] =	ssyncset.done @!p0 $0x0  }
0x75: {  	s4 =	simm.s32 @p0 $0x180;
	[sflag:s10] =	ssyncadd.s32 @!p0 $0xFFFFC000  }
0x76: {  	[tilespmem:s16], [sflag:$0x4] =	stream.indirect.gather [hbm4b:s3+s11], $0x80, s4, s11, $0xb8;
	[tilespmem:$0x15400] =	vst v63  }
0x77: {  	_ =	swait.ge [sflag:s17], $0x4000  }
0x78: {  	[sflag:s17] =	ssyncset.done $0x0  }
0x79: {  	[sflag:s17] =	ssyncadd.s32 $0xFFFFC000  }
0x7a: {  	[hbm4b:s0+s2] =	stream.linear.scatter [tilespmem:s13], [sflag:$0x7], $0x4000, $0x38;
	[tilespmem:$0x15400] =	vst v63  }
0x7b: {  	s0 =	simm.s32 @!p0 $0xA  }
0x7c: {  	_ =	swait.ge @!p0 [sflag:s0], $0x4000  }
0x7d: {  	s4 =	sadd.s32 @!p0 $0x200, s7;
	[sflag:s0] =	ssyncset.done @!p0 $0x0  }
0x7e: {  	s4 =	simm.s32 @p0 $0x200;
	[sflag:s0] =	ssyncadd.s32 @!p0 $0xFFFFC000  }
0x7f: {  	[tilespmem:s18], [sflag:$0x5] =	stream.indirect.gather [hbm4b:s3+s11], $0x80, s4, s11, $0xb8;
	[tilespmem:$0x15400] =	vst v63  }
0x80: {  	_ =	swait.ge [sflag:s19], $0x4000  }
0x81: {  	p0 =	seq.s32 s1, $0x4600;
	[sflag:s19] =	ssyncset.done $0x0  }
0x82: {  	s0 =	simm.s32 @!p0 $0x6;
	[sflag:s19] =	ssyncadd.s32 $0xFFFFC000  }
0x83: {  	[hbm4b:s31+s2] =	stream.linear.scatter [tilespmem:s14], [sflag:$0x8], $0x4000, $0x38;
	[tilespmem:$0x15400] =	vst v63  }
0x84: {  	_ =	swait.ge @!p0 [sflag:s0], $0x4000  }
0x85: {  	s1 =	sshra.s32 @!p0 s1, $0x2;
	s7 =	simm.s32 @!p0 $0x80;
	[sflag:s0] =	ssyncset.done @!p0 $0x0  }
0x86: {  	s4 =	sadd.s32 @!p0 $0x280, s1;
	[sflag:s0] =	ssyncadd.s32 @!p0 $0xFFFFC000;
	s0 =	simm.s32 @!p0 $0x1400  }
0x87: {  	[tilespmem:s0], [sflag:$0x1] =	stream.indirect.gather @!p0 [hbm4b:s3+s7], $0x80, s4, s7, $0xb8;
	[tilespmem:$0x15400] =	vst v63  }
0x88: {  	_ =	swait.ge [sflag:s20], $0x4000  }
0x89: {  	[sflag:s20] =	ssyncset.done $0x0  }
0x8a: {  	s0 =	simm.s32 @!p0 $0x7;
	[sflag:s20] =	ssyncadd.s32 $0xFFFFC000  }
0x8b: {  	[hbm4b:s30+s2] =	stream.linear.scatter [tilespmem:s16], [sflag:$0x9], $0x4000, $0x38;
	[tilespmem:$0x15400] =	vst v63  }
0x8c: {  	_ =	swait.ge @!p0 [sflag:s0], $0x4000  }
0x8d: {  	[sflag:s0] =	ssyncset.done @!p0 $0x0  }
0x8e: {  	s1 =	sadd.s32 @!p0 $0x300, s1;
	[sflag:s0] =	ssyncadd.s32 @!p0 $0xFFFFC000;
	s0 =	simm.s32 @!p0 $0x5400  }
0x8f: {  	[tilespmem:s0], [sflag:$0x2] =	stream.indirect.gather @!p0 [hbm4b:s3+s7], $0x80, s1, s7, $0xb8;
	[tilespmem:$0x15400] =	vst v63  }
0x90: {  	_ =	swait.ge [sflag:s21], $0x4000  }
0x91: {  	[sflag:s21] =	ssyncset.done $0x0  }
0x92: {  	s24 =	simm.s32 $0x6;
	[sflag:s21] =	ssyncadd.s32 $0xFFFFC000  }
0x93: {  	[hbm4b:s29+s2] =	stream.linear.scatter [tilespmem:s18], [sflag:$0xA], $0x4000, $0x38;
	[tilespmem:$0x15400] =	vst v63  }
0x94: {  	_ =	swait.ge [sflag:s24], $0x4000  }
0x95: {  	[sflag:s24] =	ssyncset.done $0x0  }
0x96: {  	s25 =	simm.s32 $0x7;
	[sflag:s24] =	ssyncadd.s32 $0xFFFFC000  }
0x97: {  	_ =	swait.ge [sflag:s25], $0x4000  }
0x98: {  	[sflag:s25] =	ssyncset.done $0x0  }
0x99: {  	s26 =	simm.s32 $0x8;
	[sflag:s25] =	ssyncadd.s32 $0xFFFFC000  }
0x9a: {  	_ =	swait.ge [sflag:s26], $0x4000  }
0x9b: {  	[sflag:s26] =	ssyncset.done $0x0  }
0x9c: {  	s29 =	simm.s32 $0x9;
	[sflag:s26] =	ssyncadd.s32 $0xFFFFC000  }
0x9d: {  	_ =	swait.ge [sflag:s29], $0x4000  }
0x9e: {  	[sflag:s29] =	ssyncset.done $0x0  }
0x9f: {  	s30 =	simm.s32 $0xA;
	[sflag:s29] =	ssyncadd.s32 $0xFFFFC000  }
0xa0: {  	_ =	swait.ge [sflag:s30], $0x4000  }
0xa1: {  	s28 =	sadd.s32 $0x1, s28;
	s31 =	rddreg [dreg:$0x4]  }
0xa2: {  	p0 =	sne.s32 s28, s31  }
.Ltmp1:
0xa3: {  	_ = 	snop;
	(pc) =	sbr.rel @p0 .LBB2_1-.Ltmp1, $3  }
0xa4: {  	_ =	sdelay $0x1  }
0xa5: {  	[sflag:s30] =	ssyncset.done $0x0  }
0xa6: {  	[sflag:s30] =	ssyncadd.s32 $0xFFFFC000  }
0xa7: {  	_ =	sfence.sel $0x180000  }
0xa8: {  	[bflag:$0x0] =	sbarrier.arrive $0xFFFF  }
0xa9: {  	_ =	strace $0x90000047  }
0xaa: {  	s0 =	stileid.u32;
	[bflag:$0x2] =	sbarrier.arrive $0xFFFF  }
0xab: {  	p0 =	sne.s32 s0, $0x0;
	s0 =	rddreg [dreg:$0x2]  }
0xac: {  	s0 =	sadd.s32 @!p0 $0x100000, s0  }
0xad: {  	[sflag:s0] =	ssyncadd.tile.s32 @!p0 $0x1;
	_ =	shalt  }
.Lfunc_end2:
_tile_overlayer_lowered:
.L_overlay_start_2:
0xae: {  	(tag) =	ssettag $0x2  }
0xaf: {  	s0 =	rddreg [dreg:$0x0];
	s2 =	stileid.u32  }
0xb0: {  	s1 =	rddreg [dreg:$0x1];
	p0 =	sne.s32 s2, $0x0  }
0xb1: {  	s3 =	rddreg [dreg:$0x2];
	[bflag:$0x3] =	sbarrier.arrive $0xFFFF;
	s2 =	simm.s32 @!p0 $0x1C0B  }
0xb2: {  	[timem:s3], [sflag:s2] =	dma.local @!p0 [hbm:s0], s1  }
0xb3: {  	s0 =	simm.s32 @!p0 $0xB  }
0xb4: {  	_ =	swait.ge @!p0 [sflag:s0], s1  }
0xb5: {  	s1 =	ssub.s32 @!p0 $0x0, s1;
	[sflag:s0] =	ssyncset.done @!p0 $0x0  }
0xb6: {  	[sflag:s0] =	ssyncadd.s32 @!p0 s1  }
0xb7: {  	[bflag:$0x3] =	sbarrier.arrive $0xFFFF  }
0xb8: {  	_ =	shalt  }

</sc_bundles>
